<compile_context>
chip_gen: v7x
topology: tpu7x:2x2x1
jax: 0.10.2.dev20260603
libtpu: 0.0.44.dev20260713+nightly
codegen_flags: <defaults>
</compile_context>

<pallas_src>
import functools
import jax
import jax.numpy as jnp
from jax import lax
from jax.experimental import pallas as pl
from jax.experimental.pallas import tpu as pltpu
from jax.experimental.pallas import tpu_sc as plsc

N = 10000
E = 160000
H = 64
LH = 64

NP = 10240
NC = 2
NS = 16
NW = NC * NS
CH = 128
EPW = 5120
E2 = NW * EPW
T = 1000
HP = 128
BN_S = 1.0 / (1.0 + 1e-5) ** 0.5

@functools.lru_cache(maxsize=None)
def _mesh():
    return plsc.VectorSubcoreMesh(
        core_axis_name="c", subcore_axis_name="s",
        num_cores=NC, num_subcores=NS)


def _wid():
    return lax.axis_index("s") * NC + lax.axis_index("c")


def _zero_1d(ref, n):
    z = jnp.zeros((16,), ref.dtype)

    def body(i, carry):
        ref[pl.ds(i * 16, 16)] = z
        return carry

    lax.fori_loop(0, n // 16, body, 0)


def _zero_2d(ref, rows, width):
    z = jnp.zeros((16,), ref.dtype)

    def body(i, carry):
        for j in range(width // 16):
            ref[i, pl.ds(16 * j, 16)] = z
        return carry

    lax.fori_loop(0, rows, body, 0)


@functools.lru_cache(maxsize=None)
def _build_sc_deg():
    return pl.kernel(
        _sc_deg_body,
        out_type=jax.ShapeDtypeStruct((NW, NP), jnp.float32),
        mesh=_mesh(),
        compiler_params=pltpu.CompilerParams(needs_layout_passes=False),
        scratch_types=[
            pltpu.VMEM((EPW,), jnp.int32),
            pltpu.VMEM((NP,), jnp.float32),
        ],
    )


def _sc_deg(dst2):
    return _build_sc_deg()(dst2)


def _sc_deg_body(dst_hbm, out_hbm, idx_v, acc_v):
    wid = _wid()
    pltpu.sync_copy(dst_hbm.at[pl.ds(wid * EPW, EPW)], idx_v)
    _zero_1d(acc_v, NP)
    ones = jnp.ones((16,), jnp.float32)

    def step(i, carry):
        idx = idx_v[pl.ds(i * 16, 16)]
        plsc.addupdate_scatter(acc_v, [idx], ones)
        return carry

    lax.fori_loop(0, EPW // 16, step, 0)
    pltpu.sync_copy(acc_v, out_hbm.at[wid])


@functools.lru_cache(maxsize=None)
def _build_sc_agg1():
    return pl.kernel(
        _sc_agg1_body,
        out_type=jax.ShapeDtypeStruct((NW, NP), jnp.float32),
        mesh=_mesh(),
        compiler_params=pltpu.CompilerParams(needs_layout_passes=False),
        scratch_types=[
            pltpu.VMEM((EPW,), jnp.int32),
            pltpu.VMEM((EPW,), jnp.int32),
            pltpu.VMEM((NP,), jnp.float32),
            pltpu.VMEM((NP,), jnp.float32),
        ],
    )


def _sc_agg1(src2, dst2, u1):
    return _build_sc_agg1()(src2, dst2, u1)


def _sc_agg1_body(src_hbm, dst_hbm, u1_hbm, out_hbm, src_v, dst_v, u1_v, acc_v):
    wid = _wid()
    pltpu.sync_copy(src_hbm.at[pl.ds(wid * EPW, EPW)], src_v)
    pltpu.sync_copy(dst_hbm.at[pl.ds(wid * EPW, EPW)], dst_v)
    pltpu.sync_copy(u1_hbm, u1_v)
    _zero_1d(acc_v, NP)

    def step(i, carry):
        s = src_v[pl.ds(i * 16, 16)]
        d = dst_v[pl.ds(i * 16, 16)]
        vals = plsc.load_gather(u1_v, [s])
        plsc.addupdate_scatter(acc_v, [d], vals)
        return carry

    lax.fori_loop(0, EPW // 16, step, 0)
    pltpu.sync_copy(acc_v, out_hbm.at[wid])


@functools.lru_cache(maxsize=None)
def _build_sc_agg2():
    return pl.kernel(
        _sc_agg2_body,
        out_type=jax.ShapeDtypeStruct((NC, NP, HP), jnp.float32),
        mesh=_mesh(),
        compiler_params=pltpu.CompilerParams(needs_layout_passes=False),
        scratch_types=[
            pltpu.VMEM((CH,), jnp.int32),
            pltpu.VMEM((CH,), jnp.int32),
            pltpu.VMEM((CH, HP), jnp.float32),
            pltpu.VMEM((CH, HP), jnp.float32),
            pltpu.VMEM_SHARED((NP, HP), jnp.float32),
            pltpu.SemaphoreType.DMA,
        ],
    )


def _sc_agg2(src2, dst2, u2):
    return _build_sc_agg2()(src2, dst2, u2)


def _sc_agg2_body(src_hbm, dst_hbm, u2_hbm, out_hbm, sidx_v, didx_v, rows_v,
                  zbuf_v, acc_sp, sem):
    cid = lax.axis_index("c")
    sid = lax.axis_index("s")
    wid = sid * NC + cid
    rows_per_tile = NP // NS
    _zero_2d(zbuf_v, CH, HP)
    for j in range(rows_per_tile // CH):
        pltpu.sync_copy(zbuf_v, acc_sp.at[pl.ds(sid * rows_per_tile + j * CH, CH)])
    plsc.subcore_barrier()

    def step(i, carry):
        base = wid * EPW + i * CH
        pltpu.sync_copy(src_hbm.at[pl.ds(base, CH)], sidx_v)
        pltpu.sync_copy(dst_hbm.at[pl.ds(base, CH)], didx_v)
        pltpu.async_copy(u2_hbm.at[sidx_v], rows_v, sem).wait()
        pltpu.sync_copy(rows_v, acc_sp.at[didx_v], add=True)
        return carry

    lax.fori_loop(0, EPW // CH, step, 0)
    plsc.subcore_barrier()
    pltpu.sync_copy(
        acc_sp.at[pl.ds(sid * rows_per_tile, rows_per_tile)],
        out_hbm.at[cid, pl.ds(sid * rows_per_tile, rows_per_tile)],
    )


@functools.lru_cache(maxsize=None)
def _build_sc_gather():
    return pl.kernel(
        _sc_gather_body,
        out_type=(
            jax.ShapeDtypeStruct((E2, HP), jnp.float32),
            jax.ShapeDtypeStruct((E2, HP), jnp.float32),
        ),
        mesh=_mesh(),
        compiler_params=pltpu.CompilerParams(needs_layout_passes=False),
        scratch_types=[
            pltpu.VMEM((CH,), jnp.int32),
            pltpu.VMEM((CH,), jnp.int32),
            pltpu.VMEM((CH, HP), jnp.float32),
            pltpu.VMEM((CH, HP), jnp.float32),
            pltpu.SemaphoreType.DMA,
            pltpu.SemaphoreType.DMA,
        ],
    )


def _sc_gather(src2, dst2, h2):
    return _build_sc_gather()(src2, dst2, h2)


def _sc_gather_body(src_hbm, dst_hbm, h2_hbm, snd_hbm, rcv_hbm, sidx_v, didx_v,
                    srows_v, drows_v, sem1, sem2):
    wid = _wid()

    def step(i, carry):
        base = wid * EPW + i * CH
        pltpu.sync_copy(src_hbm.at[pl.ds(base, CH)], sidx_v)
        pltpu.sync_copy(dst_hbm.at[pl.ds(base, CH)], didx_v)
        c1 = pltpu.async_copy(h2_hbm.at[sidx_v], srows_v, sem1)
        c2 = pltpu.async_copy(h2_hbm.at[didx_v], drows_v, sem2)
        c1.wait()
        c2.wait()
        pltpu.sync_copy(srows_v, snd_hbm.at[pl.ds(base, CH)])
        pltpu.sync_copy(drows_v, rcv_hbm.at[pl.ds(base, CH)])
        return carry

    lax.fori_loop(0, EPW // CH, step, 0)


def _tc_a_body(degp_ref, x_ref, dinv_ref, u1_ref):
    deg = jnp.sum(degp_ref[...], axis=0, keepdims=True) + 1.0
    dinv = lax.rsqrt(deg)
    dinv_ref[...] = dinv
    u1_ref[...] = x_ref[...] * dinv


def _tc_b1_body(aggp_ref, u1_ref, dinv_ref, y_ref):
    agg = jnp.sum(aggp_ref[...], axis=0, keepdims=True)
    y_ref[...] = dinv_ref[...] * (agg + u1_ref[...])


def _tc_b2_body(y_ref, dinv_ref, w1_ref, b1_ref, g1_ref, be1_ref, w2_ref,
                u2_ref):
    g1s = g1_ref[...] * BN_S
    h1 = jnp.maximum((y_ref[...] * w1_ref[...] + b1_ref[...]) * g1s
                     + be1_ref[...], 0.0)
    u2 = dinv_ref[...] * jnp.dot(
        h1, w2_ref[...], preferred_element_type=jnp.float32)
    u2_ref[...] = jnp.concatenate(
        [u2, jnp.zeros((NP, HP - H), jnp.float32)], axis=1)


def _tc_c_body(p0_ref, p1_ref, u2_ref, dinv_ref, b2_ref, g2_ref, be2_ref,
               h2_ref):
    g2s = g2_ref[...] * BN_S
    agg = (p0_ref[...] + p1_ref[...] + u2_ref[...])[:, :H]
    h2 = jnp.maximum(
        (dinv_ref[...] * agg + b2_ref[...]) * g2s + be2_ref[...], 0.0)
    h2_ref[...] = jnp.concatenate(
        [h2, jnp.zeros((NP, HP - H), jnp.float32)], axis=1)


def _lstm_body(snd_ref, rcv_ref, ea_ref,
               ws_ref, wr_ref, we_ref, b_ref,
               wi_ref, wf_ref, wg_ref, wo_ref,
               hs_s,
               gi_s, gf_s, gg_s, go_s, h_s, c_s):
    g = (jnp.dot(snd_ref[...], ws_ref[...], preferred_element_type=jnp.float32)
         + jnp.dot(rcv_ref[...], wr_ref[...],
                   preferred_element_type=jnp.float32)
         + jnp.dot(ea_ref[...], we_ref[...],
                   preferred_element_type=jnp.float32)
         + b_ref[...])
    gi_s[...] = lax.slice(g, (0, 0), (T, LH))
    gf_s[...] = lax.slice(g, (0, LH), (T, 2 * LH))
    gg_s[...] = lax.slice(g, (0, 2 * LH), (T, 3 * LH))
    go_s[...] = lax.slice(g, (0, 3 * LH), (T, 4 * LH))

    @pl.when(pl.program_id(0) == 0)
    def _():
        h_s[...] = jnp.zeros((1, LH), jnp.float32)
        c_s[...] = jnp.zeros((1, LH), jnp.float32)

    wi = wi_ref[...]
    wf = wf_ref[...]
    wg = wg_ref[...]
    wo = wo_ref[...]

    def mv(hb, w):
        p = hb * w
        for sz in (32, 16, 8):
            p = (lax.slice(p, (0, 0), (sz, LH))
                 + lax.slice(p, (sz, 0), (2 * sz, LH)))
        return jnp.sum(p, axis=0, keepdims=True)

    def step(t, carry):
        h, c, hb = carry
        zi = gi_s[pl.ds(t, 1), :] + mv(hb, wi)
        zf = gf_s[pl.ds(t, 1), :] + mv(hb, wf)
        zg = gg_s[pl.ds(t, 1), :] + mv(hb, wg)
        zo = go_s[pl.ds(t, 1), :] + mv(hb, wo)
        ig = 0.5 * jnp.tanh(0.5 * zi) + 0.5
        fg = 0.5 * jnp.tanh(0.5 * zf) + 0.5
        gg = jnp.tanh(zg)
        og = 0.5 * jnp.tanh(0.5 * zo) + 0.5
        c = fg * c + ig * gg
        h = og * jnp.tanh(c)
        hs_s[pl.ds(t, 1), :] = h
        hb = jnp.broadcast_to(jnp.reshape(h, (LH, 1)), (LH, LH))
        return (h, c, hb)

    h, c, _ = lax.fori_loop(
        0, T, step,
        (h_s[...], c_s[...],
         jnp.zeros((LH, LH), jnp.float32) + h_s[0, 0] * 0.0))
    h_s[...] = h
    c_s[...] = c


def _mlp_body(hs_ref, wl1_ref, bl1_ref, wl2_ref, bl2_ref, out_ref):
    m = jnp.maximum(
        jnp.dot(hs_ref[...], wl1_ref[...], preferred_element_type=jnp.float32)
        + bl1_ref[...], 0.0)
    out_ref[...] = (jnp.dot(m, wl2_ref[...], preferred_element_type=jnp.float32)
                    + bl2_ref[...])


def _full_spec(shape):
    return pl.BlockSpec(shape, lambda i: tuple(0 for _ in shape))


def kernel(x, edge_index, edge_attr, W1, b1, g1, be1, W2, b2, g2, be2, Wih,
           Whh, bih, bhh, Wl1, bl1, Wl2, bl2):
    f32 = jnp.float32
    src = edge_index[0].astype(jnp.int32)
    dst = edge_index[1].astype(jnp.int32)
    padi = jnp.full((E2 - E,), N, jnp.int32)
    src2 = jnp.concatenate([src, padi])
    dst2 = jnp.concatenate([dst, padi])

    x_row = jnp.zeros((1, NP), f32).at[0, :N].set(x[:, 0])

    degp = _sc_deg(dst2)
    dinv_row, u1_row = pl.pallas_call(
        _tc_a_body,
        out_shape=(jax.ShapeDtypeStruct((1, NP), f32),
                   jax.ShapeDtypeStruct((1, NP), f32)),
    )(degp, x_row)

    aggp1 = _sc_agg1(src2, dst2, u1_row.reshape(NP))
    y_row = pl.pallas_call(
        _tc_b1_body,
        out_shape=jax.ShapeDtypeStruct((1, NP), f32),
    )(aggp1, u1_row, dinv_row)

    y_col = y_row.reshape(NP, 1)
    dinv_col = dinv_row.reshape(NP, 1)

    u2 = pl.pallas_call(
        _tc_b2_body,
        out_shape=jax.ShapeDtypeStruct((NP, HP), f32),
    )(y_col, dinv_col, W1.reshape(1, H), b1.reshape(1, H), g1.reshape(1, H),
      be1.reshape(1, H), W2)

    aggp2 = _sc_agg2(src2, dst2, u2)
    h2 = pl.pallas_call(
        _tc_c_body,
        out_shape=jax.ShapeDtypeStruct((NP, HP), f32),
    )(aggp2[0], aggp2[1], u2, dinv_col, b2.reshape(1, H), g2.reshape(1, H),
      be2.reshape(1, H))

    snd2, rcv2 = _sc_gather(src2, dst2, h2)
    snd = lax.slice(snd2, (0, 0), (E, HP))
    rcv = lax.slice(rcv2, (0, 0), (E, HP))

    WihT = Wih.T
    ws = jnp.concatenate(
        [lax.slice(WihT, (0, 0), (H, 4 * LH)),
         jnp.zeros((HP - H, 4 * LH), jnp.float32)])
    wr = jnp.concatenate(
        [lax.slice(WihT, (H, 0), (2 * H, 4 * LH)),
         jnp.zeros((HP - H, 4 * LH), jnp.float32)])
    we = lax.slice(WihT, (2 * H, 0), (2 * H + 2, 4 * LH))
    b = (bih + bhh).reshape(1, 4 * LH)
    WhhT = Whh.T
    wi = lax.slice(WhhT, (0, 0), (LH, LH))
    wf = lax.slice(WhhT, (0, LH), (LH, 2 * LH))
    wg = lax.slice(WhhT, (0, 2 * LH), (LH, 3 * LH))
    wo = lax.slice(WhhT, (0, 3 * LH), (LH, 4 * LH))

    grid = E // T
    edge_spec = pl.BlockSpec((T, HP), lambda i: (i, 0))
    hs = pl.pallas_call(
        _lstm_body,
        grid=(grid,),
        in_specs=[
            edge_spec, edge_spec, pl.BlockSpec((T, 2), lambda i: (i, 0)),
            _full_spec((HP, 4 * LH)), _full_spec((HP, 4 * LH)),
            _full_spec((2, 4 * LH)), _full_spec((1, 4 * LH)),
            _full_spec((LH, LH)), _full_spec((LH, LH)),
            _full_spec((LH, LH)), _full_spec((LH, LH)),
        ],
        out_specs=pl.BlockSpec((T, LH), lambda i: (i, 0)),
        out_shape=jax.ShapeDtypeStruct((E, LH), f32),
        scratch_shapes=[
            pltpu.VMEM((T, LH), f32), pltpu.VMEM((T, LH), f32),
            pltpu.VMEM((T, LH), f32), pltpu.VMEM((T, LH), f32),
            pltpu.VMEM((1, LH), f32), pltpu.VMEM((1, LH), f32),
        ],
        compiler_params=pltpu.CompilerParams(
            dimension_semantics=("arbitrary",)),
    )(snd, rcv, edge_attr, ws, wr, we, b, wi, wf, wg, wo)

    TM = 8000
    out = pl.pallas_call(
        _mlp_body,
        grid=(E // TM,),
        in_specs=[
            pl.BlockSpec((TM, LH), lambda i: (i, 0)),
            _full_spec((LH, LH // 2)), _full_spec((1, LH // 2)),
            _full_spec((LH // 2, 1)), _full_spec((1, 1)),
        ],
        out_specs=pl.BlockSpec((TM, 1), lambda i: (i, 0)),
        out_shape=jax.ShapeDtypeStruct((E, 1), f32),
        compiler_params=pltpu.CompilerParams(
            dimension_semantics=("arbitrary",)),
    )(hs, Wl1.T, bl1.reshape(1, LH // 2), Wl2.T, bl2.reshape(1, 1))

    return out.reshape(-1)

# --- scband reference (transcript-rebuilt; emitter-appended) ---
"""Pipeline reference for scband-edge-gcn-lstm-8650064134828 (READ-ONLY COPY).

The authoritative reference and input builder live on the scoring server;
editing this copy changes nothing except your own understanding.
"""

import jax, jax.numpy as jnp
import numpy as np

N = 10000
E = 160000
H = 64
LH = 64

def setup_inputs(seed: int = 0):
    key = jax.random.key(seed)
    ks = jax.random.split(key, 24)
    inp = {}
    inp['x'] = jax.random.normal(ks[0], (N, 1), jnp.float32)
    inp['edge_index'] = jax.random.randint(ks[1], (2, E), 0, N)
    inp['edge_attr'] = jax.random.normal(ks[2], (E, 2), jnp.float32)
    inp['W1'] = jax.random.normal(ks[3], (1, H), jnp.float32) * 0.5
    inp['b1'] = jnp.zeros((H,), jnp.float32)
    inp['g1'] = jnp.ones((H,), jnp.float32)
    inp['be1'] = jnp.zeros((H,), jnp.float32)
    inp['W2'] = jax.random.normal(ks[4], (H, H), jnp.float32) * (1.0 / np.sqrt(H))
    inp['b2'] = jnp.zeros((H,), jnp.float32)
    inp['g2'] = jnp.ones((H,), jnp.float32)
    inp['be2'] = jnp.zeros((H,), jnp.float32)
    D = 2 * H + 2
    s = 1.0 / np.sqrt(LH)
    inp['Wih'] = jax.random.uniform(ks[5], (4 * LH, D), jnp.float32, -s, s)
    inp['Whh'] = jax.random.uniform(ks[6], (4 * LH, LH), jnp.float32, -s, s)
    inp['bih'] = jax.random.uniform(ks[7], (4 * LH,), jnp.float32, -s, s)
    inp['bhh'] = jax.random.uniform(ks[8], (4 * LH,), jnp.float32, -s, s)
    inp['Wl1'] = jax.random.uniform(ks[9], (LH // 2, LH), jnp.float32, -s, s)
    inp['bl1'] = jnp.zeros((LH // 2,), jnp.float32)
    s2 = 1.0 / np.sqrt(LH // 2)
    inp['Wl2'] = jax.random.uniform(ks[10], (1, LH // 2), jnp.float32, -s2, s2)
    inp['bl2'] = jnp.zeros((1,), jnp.float32)
    return inp

def _gcn(x, W, b, src, dst):
    h = x @ W
    loop = jnp.arange(N, dtype=src.dtype)
    src2 = jnp.concatenate([src, loop])
    dst2 = jnp.concatenate([dst, loop])
    deg = jnp.zeros((N,), h.dtype).at[dst2].add(1.0)
    dinv = 1.0 / jnp.sqrt(deg)
    norm = dinv[src2] * dinv[dst2]
    msg = h[src2] * norm[:, None]
    out = jnp.zeros((N, h.shape[1]), h.dtype).at[dst2].add(msg)
    return out + b

def _bn(x, g, b):
    return x * (g / jnp.sqrt(1.0 + 1e-5)) + b

def _lstm(seq, Wih, Whh, bih, bhh):
    def step(carry, xt):
        h, c = carry
        gates = Wih @ xt + Whh @ h + bih + bhh
        i, f, g, o = jnp.split(gates, 4)
        i = jax.nn.sigmoid(i)
        f = jax.nn.sigmoid(f)
        g = jnp.tanh(g)
        o = jax.nn.sigmoid(o)
        c = f * c + i * g
        h = o * jnp.tanh(c)
        return (h, c), h
    init = (jnp.zeros((LH,), seq.dtype), jnp.zeros((LH,), seq.dtype))
    _, hs = jax.lax.scan(step, init, seq)
    return hs

def reference(x, edge_index, edge_attr, W1, b1, g1, be1, W2, b2, g2, be2, Wih, Whh, bih, bhh, Wl1, bl1, Wl2, bl2):
    src = edge_index[0]
    dst = edge_index[1]
    h = jax.nn.relu(_bn(_gcn(x, W1, b1, src, dst), g1, be1))
    h = jax.nn.relu(_bn(_gcn(h, W2, b2, src, dst), g2, be2))
    sender = h[src]
    receiver = h[dst]
    ef = jnp.concatenate([sender, receiver, edge_attr], axis=1)
    hs = _lstm(ef, Wih, Whh, bih, bhh)
    o = jax.nn.relu(hs @ Wl1.T + bl1)
    o = o @ Wl2.T + bl2
    return o.reshape(-1)

if __name__ == "__main__":
    import jax
    _d = setup_inputs()
    print(jax.jit(kernel)(*tuple(_d.values())))

</pallas_src>

<mosaic_0001>
#map = affine_map<(d0, d1) -> (0)>
#map1 = affine_map<(d0, d1) -> (0, 0)>
module attributes {stable_mosaic.version = 14 : i64} {
  func.func @_sc_deg_body(%arg0: i32, %arg1: i32, %arg2: memref<163840xi32, #tpu.memory_space<hbm>>, %arg3: memref<32x10240xf32, #tpu.memory_space<hbm>>, %arg4: memref<5120xi32, #tpu.memory_space<vmem>>, %arg5: memref<10240xf32, #tpu.memory_space<vmem>>) attributes {dimension_semantics = [#tpu.dimension_semantics<core_parallel>, #tpu.dimension_semantics<subcore_parallel>], iteration_bounds = array<i64: 2, 16>, scalar_prefetch = 0 : i64, scratch_operands = 2 : i64, tpu.core_type = #tpu.core_type<sc_vector_subcore>, window_params = [{transform_indices = #map}, {transform_indices = #map1}]} {
    %mul3A = arith.constant 2 : i32
    %mul3A_0 = arith.muli %arg1, %mul3A : i32
    %add3A = arith.addi %mul3A_0, %arg0 : i32
    %mul3A_1 = arith.constant 5120 : i32
    %mul3A_2 = arith.muli %add3A, %mul3A_1 : i32
    "tpu.region"() ({
      %run_scoped3A = tpu.sem_alloc : memref<!tpu.dma_semaphore, #tpu.memory_space<semaphore_mem>>
      %dma_start3A = tpu.memref_slice %arg2[%mul3A_2] : memref<163840xi32, #tpu.memory_space<hbm>> -> memref<5120xi32, #tpu.memory_space<hbm>>
      %dma_start3A_17 = tpu.memref_slice %arg2[%mul3A_2] : memref<163840xi32, #tpu.memory_space<hbm>> -> memref<5120xi32, #tpu.memory_space<hbm>>
      tpu.enqueue_dma source(%dma_start3A_17 : memref<5120xi32, #tpu.memory_space<hbm>>) target(%arg4 : memref<5120xi32, #tpu.memory_space<vmem>>) target_semaphore(%run_scoped3A : memref<!tpu.dma_semaphore, #tpu.memory_space<semaphore_mem>>)
      %dma_wait3A = tpu.memref_slice %arg2[%mul3A_2] : memref<163840xi32, #tpu.memory_space<hbm>> -> memref<5120xi32, #tpu.memory_space<hbm>>
      %dma_wait3A_18 = tpu.memref_slice %arg2[%mul3A_2] : memref<163840xi32, #tpu.memory_space<hbm>> -> memref<5120xi32, #tpu.memory_space<hbm>>
      tpu.wait_dma2 semaphore(%run_scoped3A : memref<!tpu.dma_semaphore, #tpu.memory_space<semaphore_mem>>) src(%dma_wait3A_18 : memref<5120xi32, #tpu.memory_space<hbm>>) dst(%arg4 : memref<5120xi32, #tpu.memory_space<vmem>>)
      tpu.yield
    }) : () -> ()
    %broadcast_in_dim3A = arith.constant 0.000000e+00 : f32
    %broadcast_in_dim3A_3 = vector.broadcast %broadcast_in_dim3A : f32 to vector<16xf32>
    %scan3A = arith.constant 0 : i32
    %scan3A_4 = arith.constant 0 : i32
    %scan3A_5 = arith.constant 640 : i32
    %scan3A_6 = arith.addi %scan3A_4, %scan3A_5 : i32
    %scan3A_7 = arith.constant 1 : i32
    scf.for %scan3A_17 = %scan3A_4 to %scan3A_6 step %scan3A_7  : i32 {
      %mul3A_18 = arith.constant 16 : i32
      %mul3A_19 = arith.muli %scan3A_17, %mul3A_18 : i32
      %swap3A = arith.index_cast %mul3A_19 : i32 to index
      %swap3A_20 = tpu.vector_load %arg5[%swap3A] {strides = array<i32>} : memref<10240xf32, #tpu.memory_space<vmem>>, vector<16xf32>,
      tpu.vector_store %arg5[%swap3A], %broadcast_in_dim3A_3 {strides = array<i32>} : memref<10240xf32, #tpu.memory_space<vmem>>, vector<16xf32>,
    }
    %scan3A_8 = arith.constant 640 : i32
    %broadcast_in_dim3A_9 = arith.constant 1.000000e+00 : f32
    %broadcast_in_dim3A_10 = vector.broadcast %broadcast_in_dim3A_9 : f32 to vector<16xf32>
    %scan3A_11 = arith.constant 0 : i32
    %scan3A_12 = arith.constant 0 : i32
    %scan3A_13 = arith.constant 320 : i32
    %scan3A_14 = arith.addi %scan3A_12, %scan3A_13 : i32
    %scan3A_15 = arith.constant 1 : i32
    scf.for %scan3A_17 = %scan3A_12 to %scan3A_14 step %scan3A_15  : i32 {
      %mul3A_18 = arith.constant 16 : i32
      %mul3A_19 = arith.muli %scan3A_17, %mul3A_18 : i32
      %get3A = arith.index_cast %mul3A_19 : i32 to index
      %get3A_20 = tpu.vector_load %arg4[%get3A] {strides = array<i32>} : memref<5120xi32, #tpu.memory_space<vmem>>, vector<16xi32>,
      tpu.vector_store_idx %arg5[%get3A_20], %broadcast_in_dim3A_10 {add = true} : memref<10240xf32, #tpu.memory_space<vmem>>[vector<16xi32>], vector<16xf32>,
    }
    %scan3A_16 = arith.constant 320 : i32
    "tpu.region"() ({
      %run_scoped3A = tpu.sem_alloc : memref<!tpu.dma_semaphore, #tpu.memory_space<semaphore_mem>>
      %dma_start3A = arith.constant 0 : i32
      %dma_start3A_17 = tpu.memref_slice %arg3[%add3A, %dma_start3A] : memref<32x10240xf32, #tpu.memory_space<hbm>> -> memref<1x10240xf32, #tpu.memory_space<hbm>>
      %dma_start3A_18 = tpu.memref_squeeze %dma_start3A_17 : memref<1x10240xf32, #tpu.memory_space<hbm>> -> memref<10240xf32, #tpu.memory_space<hbm>>
      %dma_start3A_19 = arith.constant 0 : i32
      %dma_start3A_20 = tpu.memref_slice %arg3[%add3A, %dma_start3A_19] : memref<32x10240xf32, #tpu.memory_space<hbm>> -> memref<1x10240xf32, #tpu.memory_space<hbm>>
      %dma_start3A_21 = tpu.memref_squeeze %dma_start3A_20 : memref<1x10240xf32, #tpu.memory_space<hbm>> -> memref<10240xf32, #tpu.memory_space<hbm>>
      tpu.enqueue_dma source(%arg5 : memref<10240xf32, #tpu.memory_space<vmem>>) target(%dma_start3A_21 : memref<10240xf32, #tpu.memory_space<hbm>>) target_semaphore(%run_scoped3A : memref<!tpu.dma_semaphore, #tpu.memory_space<semaphore_mem>>)
      %dma_wait3A = arith.constant 0 : i32
      %dma_wait3A_22 = tpu.memref_slice %arg3[%add3A, %dma_wait3A] : memref<32x10240xf32, #tpu.memory_space<hbm>> -> memref<1x10240xf32, #tpu.memory_space<hbm>>
      %dma_wait3A_23 = tpu.memref_squeeze %dma_wait3A_22 : memref<1x10240xf32, #tpu.memory_space<hbm>> -> memref<10240xf32, #tpu.memory_space<hbm>>
      %dma_wait3A_24 = arith.constant 0 : i32
      %dma_wait3A_25 = tpu.memref_slice %arg3[%add3A, %dma_wait3A_24] : memref<32x10240xf32, #tpu.memory_space<hbm>> -> memref<1x10240xf32, #tpu.memory_space<hbm>>
      %dma_wait3A_26 = tpu.memref_squeeze %dma_wait3A_25 : memref<1x10240xf32, #tpu.memory_space<hbm>> -> memref<10240xf32, #tpu.memory_space<hbm>>
      tpu.wait_dma2 semaphore(%run_scoped3A : memref<!tpu.dma_semaphore, #tpu.memory_space<semaphore_mem>>) src(%arg5 : memref<10240xf32, #tpu.memory_space<vmem>>) dst(%dma_wait3A_26 : memref<10240xf32, #tpu.memory_space<hbm>>)
      tpu.yield
    }) : () -> ()
    return
  }
}

#map = affine_map<(d0, d1) -> (0)>
#map1 = affine_map<(d0, d1) -> (0, 0)>
module attributes {stable_mosaic.version = 14 : i64} {
  func.func @_sc_agg1_body(%arg0: i32, %arg1: i32, %arg2: memref<163840xi32, #tpu.memory_space<hbm>>, %arg3: memref<163840xi32, #tpu.memory_space<hbm>>, %arg4: memref<10240xf32, #tpu.memory_space<hbm>>, %arg5: memref<32x10240xf32, #tpu.memory_space<hbm>>, %arg6: memref<5120xi32, #tpu.memory_space<vmem>>, %arg7: memref<5120xi32, #tpu.memory_space<vmem>>, %arg8: memref<10240xf32, #tpu.memory_space<vmem>>, %arg9: memref<10240xf32, #tpu.memory_space<vmem>>) attributes {dimension_semantics = [#tpu.dimension_semantics<core_parallel>, #tpu.dimension_semantics<subcore_parallel>], iteration_bounds = array<i64: 2, 16>, scalar_prefetch = 0 : i64, scratch_operands = 4 : i64, tpu.core_type = #tpu.core_type<sc_vector_subcore>, window_params = [{transform_indices = #map}, {transform_indices = #map}, {transform_indices = #map}, {transform_indices = #map1}]} {
    %mul3A = arith.constant 2 : i32
    %mul3A_0 = arith.muli %arg1, %mul3A : i32
    %add3A = arith.addi %mul3A_0, %arg0 : i32
    %mul3A_1 = arith.constant 5120 : i32
    %mul3A_2 = arith.muli %add3A, %mul3A_1 : i32
    "tpu.region"() ({
      %run_scoped3A = tpu.sem_alloc : memref<!tpu.dma_semaphore, #tpu.memory_space<semaphore_mem>>
      %dma_start3A = tpu.memref_slice %arg2[%mul3A_2] : memref<163840xi32, #tpu.memory_space<hbm>> -> memref<5120xi32, #tpu.memory_space<hbm>>
      %dma_start3A_17 = tpu.memref_slice %arg2[%mul3A_2] : memref<163840xi32, #tpu.memory_space<hbm>> -> memref<5120xi32, #tpu.memory_space<hbm>>
      tpu.enqueue_dma source(%dma_start3A_17 : memref<5120xi32, #tpu.memory_space<hbm>>) target(%arg6 : memref<5120xi32, #tpu.memory_space<vmem>>) target_semaphore(%run_scoped3A : memref<!tpu.dma_semaphore, #tpu.memory_space<semaphore_mem>>)
      %dma_wait3A = tpu.memref_slice %arg2[%mul3A_2] : memref<163840xi32, #tpu.memory_space<hbm>> -> memref<5120xi32, #tpu.memory_space<hbm>>
      %dma_wait3A_18 = tpu.memref_slice %arg2[%mul3A_2] : memref<163840xi32, #tpu.memory_space<hbm>> -> memref<5120xi32, #tpu.memory_space<hbm>>
      tpu.wait_dma2 semaphore(%run_scoped3A : memref<!tpu.dma_semaphore, #tpu.memory_space<semaphore_mem>>) src(%dma_wait3A_18 : memref<5120xi32, #tpu.memory_space<hbm>>) dst(%arg6 : memref<5120xi32, #tpu.memory_space<vmem>>)
      tpu.yield
    }) : () -> ()
    %mul3A_3 = arith.constant 5120 : i32
    %mul3A_4 = arith.muli %add3A, %mul3A_3 : i32
    "tpu.region"() ({
      %run_scoped3A = tpu.sem_alloc : memref<!tpu.dma_semaphore, #tpu.memory_space<semaphore_mem>>
      %dma_start3A = tpu.memref_slice %arg3[%mul3A_4] : memref<163840xi32, #tpu.memory_space<hbm>> -> memref<5120xi32, #tpu.memory_space<hbm>>
      %dma_start3A_17 = tpu.memref_slice %arg3[%mul3A_4] : memref<163840xi32, #tpu.memory_space<hbm>> -> memref<5120xi32, #tpu.memory_space<hbm>>
      tpu.enqueue_dma source(%dma_start3A_17 : memref<5120xi32, #tpu.memory_space<hbm>>) target(%arg7 : memref<5120xi32, #tpu.memory_space<vmem>>) target_semaphore(%run_scoped3A : memref<!tpu.dma_semaphore, #tpu.memory_space<semaphore_mem>>)
      %dma_wait3A = tpu.memref_slice %arg3[%mul3A_4] : memref<163840xi32, #tpu.memory_space<hbm>> -> memref<5120xi32, #tpu.memory_space<hbm>>
      %dma_wait3A_18 = tpu.memref_slice %arg3[%mul3A_4] : memref<163840xi32, #tpu.memory_space<hbm>> -> memref<5120xi32, #tpu.memory_space<hbm>>
      tpu.wait_dma2 semaphore(%run_scoped3A : memref<!tpu.dma_semaphore, #tpu.memory_space<semaphore_mem>>) src(%dma_wait3A_18 : memref<5120xi32, #tpu.memory_space<hbm>>) dst(%arg7 : memref<5120xi32, #tpu.memory_space<vmem>>)
      tpu.yield
    }) : () -> ()
    "tpu.region"() ({
      %run_scoped3A = tpu.sem_alloc : memref<!tpu.dma_semaphore, #tpu.memory_space<semaphore_mem>>
      tpu.enqueue_dma source(%arg4 : memref<10240xf32, #tpu.memory_space<hbm>>) target(%arg8 : memref<10240xf32, #tpu.memory_space<vmem>>) target_semaphore(%run_scoped3A : memref<!tpu.dma_semaphore, #tpu.memory_space<semaphore_mem>>)
      tpu.wait_dma2 semaphore(%run_scoped3A : memref<!tpu.dma_semaphore, #tpu.memory_space<semaphore_mem>>) src(%arg4 : memref<10240xf32, #tpu.memory_space<hbm>>) dst(%arg8 : memref<10240xf32, #tpu.memory_space<vmem>>)
      tpu.yield
    }) : () -> ()
    %broadcast_in_dim3A = arith.constant 0.000000e+00 : f32
    %broadcast_in_dim3A_5 = vector.broadcast %broadcast_in_dim3A : f32 to vector<16xf32>
    %scan3A = arith.constant 0 : i32
    %scan3A_6 = arith.constant 0 : i32
    %scan3A_7 = arith.constant 640 : i32
    %scan3A_8 = arith.addi %scan3A_6, %scan3A_7 : i32
    %scan3A_9 = arith.constant 1 : i32
    scf.for %scan3A_17 = %scan3A_6 to %scan3A_8 step %scan3A_9  : i32 {
      %mul3A_18 = arith.constant 16 : i32
      %mul3A_19 = arith.muli %scan3A_17, %mul3A_18 : i32
      %swap3A = arith.index_cast %mul3A_19 : i32 to index
      %swap3A_20 = tpu.vector_load %arg9[%swap3A] {strides = array<i32>} : memref<10240xf32, #tpu.memory_space<vmem>>, vector<16xf32>,
      tpu.vector_store %arg9[%swap3A], %broadcast_in_dim3A_5 {strides = array<i32>} : memref<10240xf32, #tpu.memory_space<vmem>>, vector<16xf32>,
    }
    %scan3A_10 = arith.constant 640 : i32
    %scan3A_11 = arith.constant 0 : i32
    %scan3A_12 = arith.constant 0 : i32
    %scan3A_13 = arith.constant 320 : i32
    %scan3A_14 = arith.addi %scan3A_12, %scan3A_13 : i32
    %scan3A_15 = arith.constant 1 : i32
    scf.for %scan3A_17 = %scan3A_12 to %scan3A_14 step %scan3A_15  : i32 {
      %mul3A_18 = arith.constant 16 : i32
      %mul3A_19 = arith.muli %scan3A_17, %mul3A_18 : i32
      %get3A = arith.index_cast %mul3A_19 : i32 to index
      %get3A_20 = tpu.vector_load %arg6[%get3A] {strides = array<i32>} : memref<5120xi32, #tpu.memory_space<vmem>>, vector<16xi32>,
      %mul3A_21 = arith.constant 16 : i32
      %mul3A_22 = arith.muli %scan3A_17, %mul3A_21 : i32
      %get3A_23 = arith.index_cast %mul3A_22 : i32 to index
      %get3A_24 = tpu.vector_load %arg7[%get3A_23] {strides = array<i32>} : memref<5120xi32, #tpu.memory_space<vmem>>, vector<16xi32>,
      %gather3A = tpu.vector_load_idx %arg8[%get3A_20] : memref<10240xf32, #tpu.memory_space<vmem>>[vector<16xi32>], vector<16xf32>,
      tpu.vector_store_idx %arg9[%get3A_24], %gather3A {add = true} : memref<10240xf32, #tpu.memory_space<vmem>>[vector<16xi32>], vector<16xf32>,
    }
    %scan3A_16 = arith.constant 320 : i32
    "tpu.region"() ({
      %run_scoped3A = tpu.sem_alloc : memref<!tpu.dma_semaphore, #tpu.memory_space<semaphore_mem>>
      %dma_start3A = arith.constant 0 : i32
      %dma_start3A_17 = tpu.memref_slice %arg5[%add3A, %dma_start3A] : memref<32x10240xf32, #tpu.memory_space<hbm>> -> memref<1x10240xf32, #tpu.memory_space<hbm>>
      %dma_start3A_18 = tpu.memref_squeeze %dma_start3A_17 : memref<1x10240xf32, #tpu.memory_space<hbm>> -> memref<10240xf32, #tpu.memory_space<hbm>>
      %dma_start3A_19 = arith.constant 0 : i32
      %dma_start3A_20 = tpu.memref_slice %arg5[%add3A, %dma_start3A_19] : memref<32x10240xf32, #tpu.memory_space<hbm>> -> memref<1x10240xf32, #tpu.memory_space<hbm>>
      %dma_start3A_21 = tpu.memref_squeeze %dma_start3A_20 : memref<1x10240xf32, #tpu.memory_space<hbm>> -> memref<10240xf32, #tpu.memory_space<hbm>>
      tpu.enqueue_dma source(%arg9 : memref<10240xf32, #tpu.memory_space<vmem>>) target(%dma_start3A_21 : memref<10240xf32, #tpu.memory_space<hbm>>) target_semaphore(%run_scoped3A : memref<!tpu.dma_semaphore, #tpu.memory_space<semaphore_mem>>)
      %dma_wait3A = arith.constant 0 : i32
      %dma_wait3A_22 = tpu.memref_slice %arg5[%add3A, %dma_wait3A] : memref<32x10240xf32, #tpu.memory_space<hbm>> -> memref<1x10240xf32, #tpu.memory_space<hbm>>
      %dma_wait3A_23 = tpu.memref_squeeze %dma_wait3A_22 : memref<1x10240xf32, #tpu.memory_space<hbm>> -> memref<10240xf32, #tpu.memory_space<hbm>>
      %dma_wait3A_24 = arith.constant 0 : i32
      %dma_wait3A_25 = tpu.memref_slice %arg5[%add3A, %dma_wait3A_24] : memref<32x10240xf32, #tpu.memory_space<hbm>> -> memref<1x10240xf32, #tpu.memory_space<hbm>>
      %dma_wait3A_26 = tpu.memref_squeeze %dma_wait3A_25 : memref<1x10240xf32, #tpu.memory_space<hbm>> -> memref<10240xf32, #tpu.memory_space<hbm>>
      tpu.wait_dma2 semaphore(%run_scoped3A : memref<!tpu.dma_semaphore, #tpu.memory_space<semaphore_mem>>) src(%arg9 : memref<10240xf32, #tpu.memory_space<vmem>>) dst(%dma_wait3A_26 : memref<10240xf32, #tpu.memory_space<hbm>>)
      tpu.yield
    }) : () -> ()
    return
  }
}

#map = affine_map<(d0, d1) -> (0)>
#map1 = affine_map<(d0, d1) -> (0, 0)>
module attributes {stable_mosaic.version = 14 : i64} {
  func.func @_sc_gather_body(%arg0: i32, %arg1: i32, %arg2: memref<163840xi32, #tpu.memory_space<hbm>>, %arg3: memref<163840xi32, #tpu.memory_space<hbm>>, %arg4: memref<10240x128xf32, #tpu.memory_space<hbm>>, %arg5: memref<163840x128xf32, #tpu.memory_space<hbm>>, %arg6: memref<163840x128xf32, #tpu.memory_space<hbm>>, %arg7: memref<128xi32, #tpu.memory_space<vmem>>, %arg8: memref<128xi32, #tpu.memory_space<vmem>>, %arg9: memref<128x128xf32, #tpu.memory_space<vmem>>, %arg10: memref<128x128xf32, #tpu.memory_space<vmem>>, %arg11: memref<!tpu.dma_semaphore, #tpu.memory_space<semaphore_mem>>, %arg12: memref<!tpu.dma_semaphore, #tpu.memory_space<semaphore_mem>>) attributes {dimension_semantics = [#tpu.dimension_semantics<core_parallel>, #tpu.dimension_semantics<subcore_parallel>], iteration_bounds = array<i64: 2, 16>, scalar_prefetch = 0 : i64, scratch_operands = 6 : i64, tpu.core_type = #tpu.core_type<sc_vector_subcore>, window_params = [{transform_indices = #map}, {transform_indices = #map}, {transform_indices = #map1}, {transform_indices = #map1}, {transform_indices = #map1}]} {
    %mul3A = arith.constant 2 : i32
    %mul3A_0 = arith.muli %arg1, %mul3A : i32
    %add3A = arith.addi %mul3A_0, %arg0 : i32
    %scan3A = arith.constant 0 : i32
    %scan3A_1 = arith.constant 0 : i32
    %scan3A_2 = arith.constant 40 : i32
    %scan3A_3 = arith.addi %scan3A_1, %scan3A_2 : i32
    %scan3A_4 = arith.constant 1 : i32
    scf.for %scan3A_6 = %scan3A_1 to %scan3A_3 step %scan3A_4  : i32 {
      %mul3A_7 = arith.constant 5120 : i32
      %mul3A_8 = arith.muli %add3A, %mul3A_7 : i32
      %mul3A_9 = arith.constant 128 : i32
      %mul3A_10 = arith.muli %scan3A_6, %mul3A_9 : i32
      %add3A_11 = arith.addi %mul3A_8, %mul3A_10 : i32
      "tpu.region"() ({
        %run_scoped3A = tpu.sem_alloc : memref<!tpu.dma_semaphore, #tpu.memory_space<semaphore_mem>>
        %dma_start3A_22 = tpu.memref_slice %arg2[%add3A_11] : memref<163840xi32, #tpu.memory_space<hbm>> -> memref<128xi32, #tpu.memory_space<hbm>>
        %dma_start3A_23 = tpu.memref_slice %arg2[%add3A_11] : memref<163840xi32, #tpu.memory_space<hbm>> -> memref<128xi32, #tpu.memory_space<hbm>>
        tpu.enqueue_dma source(%dma_start3A_23 : memref<128xi32, #tpu.memory_space<hbm>>) target(%arg7 : memref<128xi32, #tpu.memory_space<vmem>>) target_semaphore(%run_scoped3A : memref<!tpu.dma_semaphore, #tpu.memory_space<semaphore_mem>>)
        %dma_wait3A_24 = tpu.memref_slice %arg2[%add3A_11] : memref<163840xi32, #tpu.memory_space<hbm>> -> memref<128xi32, #tpu.memory_space<hbm>>
        %dma_wait3A_25 = tpu.memref_slice %arg2[%add3A_11] : memref<163840xi32, #tpu.memory_space<hbm>> -> memref<128xi32, #tpu.memory_space<hbm>>
        tpu.wait_dma2 semaphore(%run_scoped3A : memref<!tpu.dma_semaphore, #tpu.memory_space<semaphore_mem>>) src(%dma_wait3A_25 : memref<128xi32, #tpu.memory_space<hbm>>) dst(%arg7 : memref<128xi32, #tpu.memory_space<vmem>>)
        tpu.yield
      }) : () -> ()
      "tpu.region"() ({
        %run_scoped3A = tpu.sem_alloc : memref<!tpu.dma_semaphore, #tpu.memory_space<semaphore_mem>>
        %dma_start3A_22 = tpu.memref_slice %arg3[%add3A_11] : memref<163840xi32, #tpu.memory_space<hbm>> -> memref<128xi32, #tpu.memory_space<hbm>>
        %dma_start3A_23 = tpu.memref_slice %arg3[%add3A_11] : memref<163840xi32, #tpu.memory_space<hbm>> -> memref<128xi32, #tpu.memory_space<hbm>>
        tpu.enqueue_dma source(%dma_start3A_23 : memref<128xi32, #tpu.memory_space<hbm>>) target(%arg8 : memref<128xi32, #tpu.memory_space<vmem>>) target_semaphore(%run_scoped3A : memref<!tpu.dma_semaphore, #tpu.memory_space<semaphore_mem>>)
        %dma_wait3A_24 = tpu.memref_slice %arg3[%add3A_11] : memref<163840xi32, #tpu.memory_space<hbm>> -> memref<128xi32, #tpu.memory_space<hbm>>
        %dma_wait3A_25 = tpu.memref_slice %arg3[%add3A_11] : memref<163840xi32, #tpu.memory_space<hbm>> -> memref<128xi32, #tpu.memory_space<hbm>>
        tpu.wait_dma2 semaphore(%run_scoped3A : memref<!tpu.dma_semaphore, #tpu.memory_space<semaphore_mem>>) src(%dma_wait3A_25 : memref<128xi32, #tpu.memory_space<hbm>>) dst(%arg8 : memref<128xi32, #tpu.memory_space<vmem>>)
        tpu.yield
      }) : () -> ()
      %dma_start3A = arith.constant 0 : i32
      %dma_start3A_12 = arith.constant 0 : i32
      %dma_start3A_13 = tpu.memref_slice %arg4[%dma_start3A, %dma_start3A_12] : memref<10240x128xf32, #tpu.memory_space<hbm>> -> memref<10240x128xf32, #tpu.memory_space<hbm>>
      tpu.enqueue_indirect_dma source(%dma_start3A_13 : memref<10240x128xf32, #tpu.memory_space<hbm>>) target(%arg9 : memref<128x128xf32, #tpu.memory_space<vmem>>) offsets(%arg7 : memref<128xi32, #tpu.memory_space<vmem>>) semaphore(%arg11 : memref<!tpu.dma_semaphore, #tpu.memory_space<semaphore_mem>>)
      %dma_start3A_14 = arith.constant 0 : i32
      %dma_start3A_15 = arith.constant 0 : i32
      %dma_start3A_16 = tpu.memref_slice %arg4[%dma_start3A_14, %dma_start3A_15] : memref<10240x128xf32, #tpu.memory_space<hbm>> -> memref<10240x128xf32, #tpu.memory_space<hbm>>
      tpu.enqueue_indirect_dma source(%dma_start3A_16 : memref<10240x128xf32, #tpu.memory_space<hbm>>) target(%arg10 : memref<128x128xf32, #tpu.memory_space<vmem>>) offsets(%arg8 : memref<128xi32, #tpu.memory_space<vmem>>) semaphore(%arg12 : memref<!tpu.dma_semaphore, #tpu.memory_space<semaphore_mem>>)
      %dma_wait3A = arith.constant 0 : i32
      %dma_wait3A_17 = arith.constant 0 : i32
      %dma_wait3A_18 = tpu.memref_slice %arg4[%dma_wait3A, %dma_wait3A_17] : memref<10240x128xf32, #tpu.memory_space<hbm>> -> memref<10240x128xf32, #tpu.memory_space<hbm>>
      tpu.wait_indirect_dma semaphore(%arg11 : memref<!tpu.dma_semaphore, #tpu.memory_space<semaphore_mem>>) src(%dma_wait3A_18 : memref<10240x128xf32, #tpu.memory_space<hbm>>) dst(%arg9 : memref<128x128xf32, #tpu.memory_space<vmem>>)
      %dma_wait3A_19 = arith.constant 0 : i32
      %dma_wait3A_20 = arith.constant 0 : i32
      %dma_wait3A_21 = tpu.memref_slice %arg4[%dma_wait3A_19, %dma_wait3A_20] : memref<10240x128xf32, #tpu.memory_space<hbm>> -> memref<10240x128xf32, #tpu.memory_space<hbm>>
      tpu.wait_indirect_dma semaphore(%arg12 : memref<!tpu.dma_semaphore, #tpu.memory_space<semaphore_mem>>) src(%dma_wait3A_21 : memref<10240x128xf32, #tpu.memory_space<hbm>>) dst(%arg10 : memref<128x128xf32, #tpu.memory_space<vmem>>)
      "tpu.region"() ({
        %run_scoped3A = tpu.sem_alloc : memref<!tpu.dma_semaphore, #tpu.memory_space<semaphore_mem>>
        %dma_start3A_22 = arith.constant 0 : i32
        %dma_start3A_23 = tpu.memref_slice %arg5[%add3A_11, %dma_start3A_22] : memref<163840x128xf32, #tpu.memory_space<hbm>> -> memref<128x128xf32, #tpu.memory_space<hbm>>
        %dma_start3A_24 = arith.constant 0 : i32
        %dma_start3A_25 = tpu.memref_slice %arg5[%add3A_11, %dma_start3A_24] : memref<163840x128xf32, #tpu.memory_space<hbm>> -> memref<128x128xf32, #tpu.memory_space<hbm>>
        tpu.enqueue_dma source(%arg9 : memref<128x128xf32, #tpu.memory_space<vmem>>) target(%dma_start3A_25 : memref<128x128xf32, #tpu.memory_space<hbm>>) target_semaphore(%run_scoped3A : memref<!tpu.dma_semaphore, #tpu.memory_space<semaphore_mem>>)
        %dma_wait3A_26 = arith.constant 0 : i32
        %dma_wait3A_27 = tpu.memref_slice %arg5[%add3A_11, %dma_wait3A_26] : memref<163840x128xf32, #tpu.memory_space<hbm>> -> memref<128x128xf32, #tpu.memory_space<hbm>>
        %dma_wait3A_28 = arith.constant 0 : i32
        %dma_wait3A_29 = tpu.memref_slice %arg5[%add3A_11, %dma_wait3A_28] : memref<163840x128xf32, #tpu.memory_space<hbm>> -> memref<128x128xf32, #tpu.memory_space<hbm>>
        tpu.wait_dma2 semaphore(%run_scoped3A : memref<!tpu.dma_semaphore, #tpu.memory_space<semaphore_mem>>) src(%arg9 : memref<128x128xf32, #tpu.memory_space<vmem>>) dst(%dma_wait3A_29 : memref<128x128xf32, #tpu.memory_space<hbm>>)
        tpu.yield
      }) : () -> ()
      "tpu.region"() ({
        %run_scoped3A = tpu.sem_alloc : memref<!tpu.dma_semaphore, #tpu.memory_space<semaphore_mem>>
        %dma_start3A_22 = arith.constant 0 : i32
        %dma_start3A_23 = tpu.memref_slice %arg6[%add3A_11, %dma_start3A_22] : memref<163840x128xf32, #tpu.memory_space<hbm>> -> memref<128x128xf32, #tpu.memory_space<hbm>>
        %dma_start3A_24 = arith.constant 0 : i32
        %dma_start3A_25 = tpu.memref_slice %arg6[%add3A_11, %dma_start3A_24] : memref<163840x128xf32, #tpu.memory_space<hbm>> -> memref<128x128xf32, #tpu.memory_space<hbm>>
        tpu.enqueue_dma source(%arg10 : memref<128x128xf32, #tpu.memory_space<vmem>>) target(%dma_start3A_25 : memref<128x128xf32, #tpu.memory_space<hbm>>) target_semaphore(%run_scoped3A : memref<!tpu.dma_semaphore, #tpu.memory_space<semaphore_mem>>)
        %dma_wait3A_26 = arith.constant 0 : i32
        %dma_wait3A_27 = tpu.memref_slice %arg6[%add3A_11, %dma_wait3A_26] : memref<163840x128xf32, #tpu.memory_space<hbm>> -> memref<128x128xf32, #tpu.memory_space<hbm>>
        %dma_wait3A_28 = arith.constant 0 : i32
        %dma_wait3A_29 = tpu.memref_slice %arg6[%add3A_11, %dma_wait3A_28] : memref<163840x128xf32, #tpu.memory_space<hbm>> -> memref<128x128xf32, #tpu.memory_space<hbm>>
        tpu.wait_dma2 semaphore(%run_scoped3A : memref<!tpu.dma_semaphore, #tpu.memory_space<semaphore_mem>>) src(%arg10 : memref<128x128xf32, #tpu.memory_space<vmem>>) dst(%dma_wait3A_29 : memref<128x128xf32, #tpu.memory_space<hbm>>)
        tpu.yield
      }) : () -> ()
    }
    %scan3A_5 = arith.constant 40 : i32
    return
  }
}

#map = affine_map<(d0, d1) -> (0)>
#map1 = affine_map<(d0, d1) -> (0, 0)>
#map2 = affine_map<(d0, d1) -> (0, 0, 0)>
module attributes {stable_mosaic.version = 14 : i64} {
  func.func @_sc_agg2_body(%arg0: i32, %arg1: i32, %arg2: memref<163840xi32, #tpu.memory_space<hbm>>, %arg3: memref<163840xi32, #tpu.memory_space<hbm>>, %arg4: memref<10240x128xf32, #tpu.memory_space<hbm>>, %arg5: memref<2x10240x128xf32, #tpu.memory_space<hbm>>, %arg6: memref<128xi32, #tpu.memory_space<vmem>>, %arg7: memref<128xi32, #tpu.memory_space<vmem>>, %arg8: memref<128x128xf32, #tpu.memory_space<vmem>>, %arg9: memref<128x128xf32, #tpu.memory_space<vmem>>, %arg10: memref<10240x128xf32, #tpu.memory_space<vmem_shared>>, %arg11: memref<!tpu.dma_semaphore, #tpu.memory_space<semaphore_mem>>) attributes {dimension_semantics = [#tpu.dimension_semantics<core_parallel>, #tpu.dimension_semantics<subcore_parallel>], iteration_bounds = array<i64: 2, 16>, scalar_prefetch = 0 : i64, scratch_operands = 6 : i64, tpu.core_type = #tpu.core_type<sc_vector_subcore>, window_params = [{transform_indices = #map}, {transform_indices = #map}, {transform_indices = #map1}, {transform_indices = #map2}]} {
    %mul3A = arith.constant 2 : i32
    %mul3A_0 = arith.muli %arg1, %mul3A : i32
    %add3A = arith.addi %mul3A_0, %arg0 : i32
    %broadcast_in_dim3A = arith.constant 0.000000e+00 : f32
    %broadcast_in_dim3A_1 = vector.broadcast %broadcast_in_dim3A : f32 to vector<16xf32>
    %scan3A = arith.constant 0 : i32
    %scan3A_2 = arith.constant 0 : i32
    %scan3A_3 = arith.constant 128 : i32
    %scan3A_4 = arith.addi %scan3A_2, %scan3A_3 : i32
    %scan3A_5 = arith.constant 1 : i32
    scf.for %scan3A_38 = %scan3A_2 to %scan3A_4 step %scan3A_5  : i32 {
      %swap3A = arith.index_cast %scan3A_38 : i32 to index
      %swap3A_39 = arith.constant 0 : index
      %swap3A_40 = tpu.vector_load %arg9[%swap3A, %swap3A_39] {strides = array<i32>} : memref<128x128xf32, #tpu.memory_space<vmem>>, vector<16xf32>,
      tpu.vector_store %arg9[%swap3A, %swap3A_39], %broadcast_in_dim3A_1 {strides = array<i32>} : memref<128x128xf32, #tpu.memory_space<vmem>>, vector<16xf32>,
      %swap3A_41 = arith.index_cast %scan3A_38 : i32 to index
      %swap3A_42 = arith.constant 16 : index
      %swap3A_43 = tpu.vector_load %arg9[%swap3A_41, %swap3A_42] {strides = array<i32>} : memref<128x128xf32, #tpu.memory_space<vmem>>, vector<16xf32>,
      tpu.vector_store %arg9[%swap3A_41, %swap3A_42], %broadcast_in_dim3A_1 {strides = array<i32>} : memref<128x128xf32, #tpu.memory_space<vmem>>, vector<16xf32>,
      %swap3A_44 = arith.index_cast %scan3A_38 : i32 to index
      %swap3A_45 = arith.constant 32 : index
      %swap3A_46 = tpu.vector_load %arg9[%swap3A_44, %swap3A_45] {strides = array<i32>} : memref<128x128xf32, #tpu.memory_space<vmem>>, vector<16xf32>,
      tpu.vector_store %arg9[%swap3A_44, %swap3A_45], %broadcast_in_dim3A_1 {strides = array<i32>} : memref<128x128xf32, #tpu.memory_space<vmem>>, vector<16xf32>,
      %swap3A_47 = arith.index_cast %scan3A_38 : i32 to index
      %swap3A_48 = arith.constant 48 : index
      %swap3A_49 = tpu.vector_load %arg9[%swap3A_47, %swap3A_48] {strides = array<i32>} : memref<128x128xf32, #tpu.memory_space<vmem>>, vector<16xf32>,
      tpu.vector_store %arg9[%swap3A_47, %swap3A_48], %broadcast_in_dim3A_1 {strides = array<i32>} : memref<128x128xf32, #tpu.memory_space<vmem>>, vector<16xf32>,
      %swap3A_50 = arith.index_cast %scan3A_38 : i32 to index
      %swap3A_51 = arith.constant 64 : index
      %swap3A_52 = tpu.vector_load %arg9[%swap3A_50, %swap3A_51] {strides = array<i32>} : memref<128x128xf32, #tpu.memory_space<vmem>>, vector<16xf32>,
      tpu.vector_store %arg9[%swap3A_50, %swap3A_51], %broadcast_in_dim3A_1 {strides = array<i32>} : memref<128x128xf32, #tpu.memory_space<vmem>>, vector<16xf32>,
      %swap3A_53 = arith.index_cast %scan3A_38 : i32 to index
      %swap3A_54 = arith.constant 80 : index
      %swap3A_55 = tpu.vector_load %arg9[%swap3A_53, %swap3A_54] {strides = array<i32>} : memref<128x128xf32, #tpu.memory_space<vmem>>, vector<16xf32>,
      tpu.vector_store %arg9[%swap3A_53, %swap3A_54], %broadcast_in_dim3A_1 {strides = array<i32>} : memref<128x128xf32, #tpu.memory_space<vmem>>, vector<16xf32>,
      %swap3A_56 = arith.index_cast %scan3A_38 : i32 to index
      %swap3A_57 = arith.constant 96 : index
      %swap3A_58 = tpu.vector_load %arg9[%swap3A_56, %swap3A_57] {strides = array<i32>} : memref<128x128xf32, #tpu.memory_space<vmem>>, vector<16xf32>,
      tpu.vector_store %arg9[%swap3A_56, %swap3A_57], %broadcast_in_dim3A_1 {strides = array<i32>} : memref<128x128xf32, #tpu.memory_space<vmem>>, vector<16xf32>,
      %swap3A_59 = arith.index_cast %scan3A_38 : i32 to index
      %swap3A_60 = arith.constant 112 : index
      %swap3A_61 = tpu.vector_load %arg9[%swap3A_59, %swap3A_60] {strides = array<i32>} : memref<128x128xf32, #tpu.memory_space<vmem>>, vector<16xf32>,
      tpu.vector_store %arg9[%swap3A_59, %swap3A_60], %broadcast_in_dim3A_1 {strides = array<i32>} : memref<128x128xf32, #tpu.memory_space<vmem>>, vector<16xf32>,
    }
    %scan3A_6 = arith.constant 128 : i32
    %mul3A_7 = arith.constant 640 : i32
    %mul3A_8 = arith.muli %arg1, %mul3A_7 : i32
    %add3A_9 = arith.constant 0 : i32
    %add3A_10 = arith.addi %mul3A_8, %add3A_9 : i32
    "tpu.region"() ({
      %run_scoped3A = tpu.sem_alloc : memref<!tpu.dma_semaphore, #tpu.memory_space<semaphore_mem>>
      %dma_start3A = arith.constant 0 : i32
      %dma_start3A_38 = tpu.memref_slice %arg10[%add3A_10, %dma_start3A] : memref<10240x128xf32, #tpu.memory_space<vmem_shared>> -> memref<128x128xf32, #tpu.memory_space<vmem_shared>>
      %dma_start3A_39 = arith.constant 0 : i32
      %dma_start3A_40 = tpu.memref_slice %arg10[%add3A_10, %dma_start3A_39] : memref<10240x128xf32, #tpu.memory_space<vmem_shared>> -> memref<128x128xf32, #tpu.memory_space<vmem_shared>>
      tpu.enqueue_dma source(%arg9 : memref<128x128xf32, #tpu.memory_space<vmem>>) target(%dma_start3A_40 : memref<128x128xf32, #tpu.memory_space<vmem_shared>>) target_semaphore(%run_scoped3A : memref<!tpu.dma_semaphore, #tpu.memory_space<semaphore_mem>>)
      %dma_wait3A = arith.constant 0 : i32
      %dma_wait3A_41 = tpu.memref_slice %arg10[%add3A_10, %dma_wait3A] : memref<10240x128xf32, #tpu.memory_space<vmem_shared>> -> memref<128x128xf32, #tpu.memory_space<vmem_shared>>
      %dma_wait3A_42 = arith.constant 0 : i32
      %dma_wait3A_43 = tpu.memref_slice %arg10[%add3A_10, %dma_wait3A_42] : memref<10240x128xf32, #tpu.memory_space<vmem_shared>> -> memref<128x128xf32, #tpu.memory_space<vmem_shared>>
      tpu.wait_dma2 semaphore(%run_scoped3A : memref<!tpu.dma_semaphore, #tpu.memory_space<semaphore_mem>>) src(%arg9 : memref<128x128xf32, #tpu.memory_space<vmem>>) dst(%dma_wait3A_43 : memref<128x128xf32, #tpu.memory_space<vmem_shared>>)
      tpu.yield
    }) : () -> ()
    %mul3A_11 = arith.constant 640 : i32
    %mul3A_12 = arith.muli %arg1, %mul3A_11 : i32
    %add3A_13 = arith.constant 128 : i32
    %add3A_14 = arith.addi %mul3A_12, %add3A_13 : i32
    "tpu.region"() ({
      %run_scoped3A = tpu.sem_alloc : memref<!tpu.dma_semaphore, #tpu.memory_space<semaphore_mem>>
      %dma_start3A = arith.constant 0 : i32
      %dma_start3A_38 = tpu.memref_slice %arg10[%add3A_14, %dma_start3A] : memref<10240x128xf32, #tpu.memory_space<vmem_shared>> -> memref<128x128xf32, #tpu.memory_space<vmem_shared>>
      %dma_start3A_39 = arith.constant 0 : i32
      %dma_start3A_40 = tpu.memref_slice %arg10[%add3A_14, %dma_start3A_39] : memref<10240x128xf32, #tpu.memory_space<vmem_shared>> -> memref<128x128xf32, #tpu.memory_space<vmem_shared>>
      tpu.enqueue_dma source(%arg9 : memref<128x128xf32, #tpu.memory_space<vmem>>) target(%dma_start3A_40 : memref<128x128xf32, #tpu.memory_space<vmem_shared>>) target_semaphore(%run_scoped3A : memref<!tpu.dma_semaphore, #tpu.memory_space<semaphore_mem>>)
      %dma_wait3A = arith.constant 0 : i32
      %dma_wait3A_41 = tpu.memref_slice %arg10[%add3A_14, %dma_wait3A] : memref<10240x128xf32, #tpu.memory_space<vmem_shared>> -> memref<128x128xf32, #tpu.memory_space<vmem_shared>>
      %dma_wait3A_42 = arith.constant 0 : i32
      %dma_wait3A_43 = tpu.memref_slice %arg10[%add3A_14, %dma_wait3A_42] : memref<10240x128xf32, #tpu.memory_space<vmem_shared>> -> memref<128x128xf32, #tpu.memory_space<vmem_shared>>
      tpu.wait_dma2 semaphore(%run_scoped3A : memref<!tpu.dma_semaphore, #tpu.memory_space<semaphore_mem>>) src(%arg9 : memref<128x128xf32, #tpu.memory_space<vmem>>) dst(%dma_wait3A_43 : memref<128x128xf32, #tpu.memory_space<vmem_shared>>)
      tpu.yield
    }) : () -> ()
    %mul3A_15 = arith.constant 640 : i32
    %mul3A_16 = arith.muli %arg1, %mul3A_15 : i32
    %add3A_17 = arith.constant 256 : i32
    %add3A_18 = arith.addi %mul3A_16, %add3A_17 : i32
    "tpu.region"() ({
      %run_scoped3A = tpu.sem_alloc : memref<!tpu.dma_semaphore, #tpu.memory_space<semaphore_mem>>
      %dma_start3A = arith.constant 0 : i32
      %dma_start3A_38 = tpu.memref_slice %arg10[%add3A_18, %dma_start3A] : memref<10240x128xf32, #tpu.memory_space<vmem_shared>> -> memref<128x128xf32, #tpu.memory_space<vmem_shared>>
      %dma_start3A_39 = arith.constant 0 : i32
      %dma_start3A_40 = tpu.memref_slice %arg10[%add3A_18, %dma_start3A_39] : memref<10240x128xf32, #tpu.memory_space<vmem_shared>> -> memref<128x128xf32, #tpu.memory_space<vmem_shared>>
      tpu.enqueue_dma source(%arg9 : memref<128x128xf32, #tpu.memory_space<vmem>>) target(%dma_start3A_40 : memref<128x128xf32, #tpu.memory_space<vmem_shared>>) target_semaphore(%run_scoped3A : memref<!tpu.dma_semaphore, #tpu.memory_space<semaphore_mem>>)
      %dma_wait3A = arith.constant 0 : i32
      %dma_wait3A_41 = tpu.memref_slice %arg10[%add3A_18, %dma_wait3A] : memref<10240x128xf32, #tpu.memory_space<vmem_shared>> -> memref<128x128xf32, #tpu.memory_space<vmem_shared>>
      %dma_wait3A_42 = arith.constant 0 : i32
      %dma_wait3A_43 = tpu.memref_slice %arg10[%add3A_18, %dma_wait3A_42] : memref<10240x128xf32, #tpu.memory_space<vmem_shared>> -> memref<128x128xf32, #tpu.memory_space<vmem_shared>>
      tpu.wait_dma2 semaphore(%run_scoped3A : memref<!tpu.dma_semaphore, #tpu.memory_space<semaphore_mem>>) src(%arg9 : memref<128x128xf32, #tpu.memory_space<vmem>>) dst(%dma_wait3A_43 : memref<128x128xf32, #tpu.memory_space<vmem_shared>>)
      tpu.yield
    }) : () -> ()
    %mul3A_19 = arith.constant 640 : i32
    %mul3A_20 = arith.muli %arg1, %mul3A_19 : i32
    %add3A_21 = arith.constant 384 : i32
    %add3A_22 = arith.addi %mul3A_20, %add3A_21 : i32
    "tpu.region"() ({
      %run_scoped3A = tpu.sem_alloc : memref<!tpu.dma_semaphore, #tpu.memory_space<semaphore_mem>>
      %dma_start3A = arith.constant 0 : i32
      %dma_start3A_38 = tpu.memref_slice %arg10[%add3A_22, %dma_start3A] : memref<10240x128xf32, #tpu.memory_space<vmem_shared>> -> memref<128x128xf32, #tpu.memory_space<vmem_shared>>
      %dma_start3A_39 = arith.constant 0 : i32
      %dma_start3A_40 = tpu.memref_slice %arg10[%add3A_22, %dma_start3A_39] : memref<10240x128xf32, #tpu.memory_space<vmem_shared>> -> memref<128x128xf32, #tpu.memory_space<vmem_shared>>
      tpu.enqueue_dma source(%arg9 : memref<128x128xf32, #tpu.memory_space<vmem>>) target(%dma_start3A_40 : memref<128x128xf32, #tpu.memory_space<vmem_shared>>) target_semaphore(%run_scoped3A : memref<!tpu.dma_semaphore, #tpu.memory_space<semaphore_mem>>)
      %dma_wait3A = arith.constant 0 : i32
      %dma_wait3A_41 = tpu.memref_slice %arg10[%add3A_22, %dma_wait3A] : memref<10240x128xf32, #tpu.memory_space<vmem_shared>> -> memref<128x128xf32, #tpu.memory_space<vmem_shared>>
      %dma_wait3A_42 = arith.constant 0 : i32
      %dma_wait3A_43 = tpu.memref_slice %arg10[%add3A_22, %dma_wait3A_42] : memref<10240x128xf32, #tpu.memory_space<vmem_shared>> -> memref<128x128xf32, #tpu.memory_space<vmem_shared>>
      tpu.wait_dma2 semaphore(%run_scoped3A : memref<!tpu.dma_semaphore, #tpu.memory_space<semaphore_mem>>) src(%arg9 : memref<128x128xf32, #tpu.memory_space<vmem>>) dst(%dma_wait3A_43 : memref<128x128xf32, #tpu.memory_space<vmem_shared>>)
      tpu.yield
    }) : () -> ()
    %mul3A_23 = arith.constant 640 : i32
    %mul3A_24 = arith.muli %arg1, %mul3A_23 : i32
    %add3A_25 = arith.constant 512 : i32
    %add3A_26 = arith.addi %mul3A_24, %add3A_25 : i32
    "tpu.region"() ({
      %run_scoped3A = tpu.sem_alloc : memref<!tpu.dma_semaphore, #tpu.memory_space<semaphore_mem>>
      %dma_start3A = arith.constant 0 : i32
      %dma_start3A_38 = tpu.memref_slice %arg10[%add3A_26, %dma_start3A] : memref<10240x128xf32, #tpu.memory_space<vmem_shared>> -> memref<128x128xf32, #tpu.memory_space<vmem_shared>>
      %dma_start3A_39 = arith.constant 0 : i32
      %dma_start3A_40 = tpu.memref_slice %arg10[%add3A_26, %dma_start3A_39] : memref<10240x128xf32, #tpu.memory_space<vmem_shared>> -> memref<128x128xf32, #tpu.memory_space<vmem_shared>>
      tpu.enqueue_dma source(%arg9 : memref<128x128xf32, #tpu.memory_space<vmem>>) target(%dma_start3A_40 : memref<128x128xf32, #tpu.memory_space<vmem_shared>>) target_semaphore(%run_scoped3A : memref<!tpu.dma_semaphore, #tpu.memory_space<semaphore_mem>>)
      %dma_wait3A = arith.constant 0 : i32
      %dma_wait3A_41 = tpu.memref_slice %arg10[%add3A_26, %dma_wait3A] : memref<10240x128xf32, #tpu.memory_space<vmem_shared>> -> memref<128x128xf32, #tpu.memory_space<vmem_shared>>
      %dma_wait3A_42 = arith.constant 0 : i32
      %dma_wait3A_43 = tpu.memref_slice %arg10[%add3A_26, %dma_wait3A_42] : memref<10240x128xf32, #tpu.memory_space<vmem_shared>> -> memref<128x128xf32, #tpu.memory_space<vmem_shared>>
      tpu.wait_dma2 semaphore(%run_scoped3A : memref<!tpu.dma_semaphore, #tpu.memory_space<semaphore_mem>>) src(%arg9 : memref<128x128xf32, #tpu.memory_space<vmem>>) dst(%dma_wait3A_43 : memref<128x128xf32, #tpu.memory_space<vmem_shared>>)
      tpu.yield
    }) : () -> ()
    %barrier3A = arith.constant 0 : index
    tpu.barrier barrier_id(%barrier3A)
    %scan3A_27 = arith.constant 0 : i32
    %scan3A_28 = arith.constant 0 : i32
    %scan3A_29 = arith.constant 40 : i32
    %scan3A_30 = arith.addi %scan3A_28, %scan3A_29 : i32
    %scan3A_31 = arith.constant 1 : i32
    scf.for %scan3A_38 = %scan3A_28 to %scan3A_30 step %scan3A_31  : i32 {
      %mul3A_39 = arith.constant 5120 : i32
      %mul3A_40 = arith.muli %add3A, %mul3A_39 : i32
      %mul3A_41 = arith.constant 128 : i32
      %mul3A_42 = arith.muli %scan3A_38, %mul3A_41 : i32
      %add3A_43 = arith.addi %mul3A_40, %mul3A_42 : i32
      "tpu.region"() ({
        %run_scoped3A = tpu.sem_alloc : memref<!tpu.dma_semaphore, #tpu.memory_space<semaphore_mem>>
        %dma_start3A_48 = tpu.memref_slice %arg2[%add3A_43] : memref<163840xi32, #tpu.memory_space<hbm>> -> memref<128xi32, #tpu.memory_space<hbm>>
        %dma_start3A_49 = tpu.memref_slice %arg2[%add3A_43] : memref<163840xi32, #tpu.memory_space<hbm>> -> memref<128xi32, #tpu.memory_space<hbm>>
        tpu.enqueue_dma source(%dma_start3A_49 : memref<128xi32, #tpu.memory_space<hbm>>) target(%arg6 : memref<128xi32, #tpu.memory_space<vmem>>) target_semaphore(%run_scoped3A : memref<!tpu.dma_semaphore, #tpu.memory_space<semaphore_mem>>)
        %dma_wait3A_50 = tpu.memref_slice %arg2[%add3A_43] : memref<163840xi32, #tpu.memory_space<hbm>> -> memref<128xi32, #tpu.memory_space<hbm>>
        %dma_wait3A_51 = tpu.memref_slice %arg2[%add3A_43] : memref<163840xi32, #tpu.memory_space<hbm>> -> memref<128xi32, #tpu.memory_space<hbm>>
        tpu.wait_dma2 semaphore(%run_scoped3A : memref<!tpu.dma_semaphore, #tpu.memory_space<semaphore_mem>>) src(%dma_wait3A_51 : memref<128xi32, #tpu.memory_space<hbm>>) dst(%arg6 : memref<128xi32, #tpu.memory_space<vmem>>)
        tpu.yield
      }) : () -> ()
      "tpu.region"() ({
        %run_scoped3A = tpu.sem_alloc : memref<!tpu.dma_semaphore, #tpu.memory_space<semaphore_mem>>
        %dma_start3A_48 = tpu.memref_slice %arg3[%add3A_43] : memref<163840xi32, #tpu.memory_space<hbm>> -> memref<128xi32, #tpu.memory_space<hbm>>
        %dma_start3A_49 = tpu.memref_slice %arg3[%add3A_43] : memref<163840xi32, #tpu.memory_space<hbm>> -> memref<128xi32, #tpu.memory_space<hbm>>
        tpu.enqueue_dma source(%dma_start3A_49 : memref<128xi32, #tpu.memory_space<hbm>>) target(%arg7 : memref<128xi32, #tpu.memory_space<vmem>>) target_semaphore(%run_scoped3A : memref<!tpu.dma_semaphore, #tpu.memory_space<semaphore_mem>>)
        %dma_wait3A_50 = tpu.memref_slice %arg3[%add3A_43] : memref<163840xi32, #tpu.memory_space<hbm>> -> memref<128xi32, #tpu.memory_space<hbm>>
        %dma_wait3A_51 = tpu.memref_slice %arg3[%add3A_43] : memref<163840xi32, #tpu.memory_space<hbm>> -> memref<128xi32, #tpu.memory_space<hbm>>
        tpu.wait_dma2 semaphore(%run_scoped3A : memref<!tpu.dma_semaphore, #tpu.memory_space<semaphore_mem>>) src(%dma_wait3A_51 : memref<128xi32, #tpu.memory_space<hbm>>) dst(%arg7 : memref<128xi32, #tpu.memory_space<vmem>>)
        tpu.yield
      }) : () -> ()
      %dma_start3A = arith.constant 0 : i32
      %dma_start3A_44 = arith.constant 0 : i32
      %dma_start3A_45 = tpu.memref_slice %arg4[%dma_start3A, %dma_start3A_44] : memref<10240x128xf32, #tpu.memory_space<hbm>> -> memref<10240x128xf32, #tpu.memory_space<hbm>>
      tpu.enqueue_indirect_dma source(%dma_start3A_45 : memref<10240x128xf32, #tpu.memory_space<hbm>>) target(%arg8 : memref<128x128xf32, #tpu.memory_space<vmem>>) offsets(%arg6 : memref<128xi32, #tpu.memory_space<vmem>>) semaphore(%arg11 : memref<!tpu.dma_semaphore, #tpu.memory_space<semaphore_mem>>)
      %dma_wait3A = arith.constant 0 : i32
      %dma_wait3A_46 = arith.constant 0 : i32
      %dma_wait3A_47 = tpu.memref_slice %arg4[%dma_wait3A, %dma_wait3A_46] : memref<10240x128xf32, #tpu.memory_space<hbm>> -> memref<10240x128xf32, #tpu.memory_space<hbm>>
      tpu.wait_indirect_dma semaphore(%arg11 : memref<!tpu.dma_semaphore, #tpu.memory_space<semaphore_mem>>) src(%dma_wait3A_47 : memref<10240x128xf32, #tpu.memory_space<hbm>>) dst(%arg8 : memref<128x128xf32, #tpu.memory_space<vmem>>)
      "tpu.region"() ({
        %run_scoped3A = tpu.sem_alloc : memref<!tpu.dma_semaphore, #tpu.memory_space<semaphore_mem>>
        %dma_start3A_48 = arith.constant 0 : i32
        %dma_start3A_49 = arith.constant 0 : i32
        %dma_start3A_50 = tpu.memref_slice %arg10[%dma_start3A_48, %dma_start3A_49] : memref<10240x128xf32, #tpu.memory_space<vmem_shared>> -> memref<10240x128xf32, #tpu.memory_space<vmem_shared>>
        tpu.enqueue_indirect_dma source(%arg8 : memref<128x128xf32, #tpu.memory_space<vmem>>) target(%dma_start3A_50 : memref<10240x128xf32, #tpu.memory_space<vmem_shared>>) offsets(%arg7 : memref<128xi32, #tpu.memory_space<vmem>>) semaphore(%run_scoped3A : memref<!tpu.dma_semaphore, #tpu.memory_space<semaphore_mem>>) {add = true}
        %dma_wait3A_51 = arith.constant 0 : i32
        %dma_wait3A_52 = arith.constant 0 : i32
        %dma_wait3A_53 = tpu.memref_slice %arg10[%dma_wait3A_51, %dma_wait3A_52] : memref<10240x128xf32, #tpu.memory_space<vmem_shared>> -> memref<10240x128xf32, #tpu.memory_space<vmem_shared>>
        tpu.wait_indirect_dma semaphore(%run_scoped3A : memref<!tpu.dma_semaphore, #tpu.memory_space<semaphore_mem>>) src(%arg8 : memref<128x128xf32, #tpu.memory_space<vmem>>) dst(%dma_wait3A_53 : memref<10240x128xf32, #tpu.memory_space<vmem_shared>>)
        tpu.yield
      }) : () -> ()
    }
    %scan3A_32 = arith.constant 40 : i32
    %barrier3A_33 = arith.constant 0 : index
    tpu.barrier barrier_id(%barrier3A_33)
    %mul3A_34 = arith.constant 640 : i32
    %mul3A_35 = arith.muli %arg1, %mul3A_34 : i32
    %mul3A_36 = arith.constant 640 : i32
    %mul3A_37 = arith.muli %arg1, %mul3A_36 : i32
    "tpu.region"() ({
      %run_scoped3A = tpu.sem_alloc : memref<!tpu.dma_semaphore, #tpu.memory_space<semaphore_mem>>
      %dma_start3A = arith.constant 0 : i32
      %dma_start3A_38 = tpu.memref_slice %arg5[%arg0, %mul3A_37, %dma_start3A] : memref<2x10240x128xf32, #tpu.memory_space<hbm>> -> memref<1x640x128xf32, #tpu.memory_space<hbm>>
      %dma_start3A_39 = tpu.memref_squeeze %dma_start3A_38 : memref<1x640x128xf32, #tpu.memory_space<hbm>> -> memref<640x128xf32, #tpu.memory_space<hbm>>
      %dma_start3A_40 = arith.constant 0 : i32
      %dma_start3A_41 = tpu.memref_slice %arg10[%mul3A_35, %dma_start3A_40] : memref<10240x128xf32, #tpu.memory_space<vmem_shared>> -> memref<640x128xf32, #tpu.memory_space<vmem_shared>>
      tpu.enqueue_dma source(%dma_start3A_41 : memref<640x128xf32, #tpu.memory_space<vmem_shared>>) target(%dma_start3A_39 : memref<640x128xf32, #tpu.memory_space<hbm>>) target_semaphore(%run_scoped3A : memref<!tpu.dma_semaphore, #tpu.memory_space<semaphore_mem>>)
      %dma_wait3A = arith.constant 0 : i32
      %dma_wait3A_42 = tpu.memref_slice %arg5[%arg0, %mul3A_37, %dma_wait3A] : memref<2x10240x128xf32, #tpu.memory_space<hbm>> -> memref<1x640x128xf32, #tpu.memory_space<hbm>>
      %dma_wait3A_43 = tpu.memref_squeeze %dma_wait3A_42 : memref<1x640x128xf32, #tpu.memory_space<hbm>> -> memref<640x128xf32, #tpu.memory_space<hbm>>
      %dma_wait3A_44 = arith.constant 0 : i32
      %dma_wait3A_45 = tpu.memref_slice %arg10[%mul3A_35, %dma_wait3A_44] : memref<10240x128xf32, #tpu.memory_space<vmem_shared>> -> memref<640x128xf32, #tpu.memory_space<vmem_shared>>
      tpu.wait_dma2 semaphore(%run_scoped3A : memref<!tpu.dma_semaphore, #tpu.memory_space<semaphore_mem>>) src(%dma_wait3A_45 : memref<640x128xf32, #tpu.memory_space<vmem_shared>>) dst(%dma_wait3A_43 : memref<640x128xf32, #tpu.memory_space<hbm>>)
      tpu.yield
    }) : () -> ()
    return
  }
}

module attributes {stable_mosaic.version = 14 : i64} {
  func.func @_tc_a_body(%arg0: memref<32x10240xf32, #tpu.memory_space<vmem>>, %arg1: memref<1x10240xf32, #tpu.memory_space<vmem>>, %arg2: memref<1x10240xf32, #tpu.memory_space<vmem>>, %arg3: memref<1x10240xf32, #tpu.memory_space<vmem>>) attributes {dimension_semantics = [], scalar_prefetch = 0 : i64, scratch_operands = 0 : i64, tpu.core_type = #tpu.core_type<tc>} {
    %get3A = arith.constant 0 : index
    %get3A_0 = arith.constant 0 : index
    %get3A_1 = vector.load %arg0[%get3A, %get3A_0] : memref<32x10240xf32, #tpu.memory_space<vmem>>, vector<32x10240xf32>
    %reduce_sum3A = arith.constant dense<0.000000e+00> : vector<10240xf32>
    %reduce_sum3A_2 = vector.multi_reduction <add>, %get3A_1, %reduce_sum3A [0] : vector<32x10240xf32> to vector<10240xf32>
    %broadcast_in_dim3A = vector.shape_cast %reduce_sum3A_2 : vector<10240xf32> to vector<1x10240xf32>
    %add3A = arith.constant 1.000000e+00 : f32
    %add3A_3 = vector.broadcast %add3A : f32 to vector<1x10240xf32>
    %add3A_4 = arith.addf %broadcast_in_dim3A, %add3A_3 : vector<1x10240xf32>
    %rsqrt3A = math.rsqrt %add3A_4 : vector<1x10240xf32>
    %swap3A = arith.constant 0 : index
    %swap3A_5 = arith.constant 0 : index
    %swap3A_6 = vector.load %arg2[%swap3A, %swap3A_5] : memref<1x10240xf32, #tpu.memory_space<vmem>>, vector<1x10240xf32>
    tpu.vector_store %arg2[%swap3A, %swap3A_5], %rsqrt3A {strides = array<i32>} : memref<1x10240xf32, #tpu.memory_space<vmem>>, vector<1x10240xf32>,
    %get3A_7 = arith.constant 0 : index
    %get3A_8 = arith.constant 0 : index
    %get3A_9 = vector.load %arg1[%get3A_7, %get3A_8] : memref<1x10240xf32, #tpu.memory_space<vmem>>, vector<1x10240xf32>
    %mul3A = arith.mulf %get3A_9, %rsqrt3A : vector<1x10240xf32>
    %swap3A_10 = arith.constant 0 : index
    %swap3A_11 = arith.constant 0 : index
    %swap3A_12 = vector.load %arg3[%swap3A_10, %swap3A_11] : memref<1x10240xf32, #tpu.memory_space<vmem>>, vector<1x10240xf32>
    tpu.vector_store %arg3[%swap3A_10, %swap3A_11], %mul3A {strides = array<i32>} : memref<1x10240xf32, #tpu.memory_space<vmem>>, vector<1x10240xf32>,
    return
  }
}

module attributes {stable_mosaic.version = 14 : i64} {
  func.func @_tc_b1_body(%arg0: memref<32x10240xf32, #tpu.memory_space<vmem>>, %arg1: memref<1x10240xf32, #tpu.memory_space<vmem>>, %arg2: memref<1x10240xf32, #tpu.memory_space<vmem>>, %arg3: memref<1x10240xf32, #tpu.memory_space<vmem>>) attributes {dimension_semantics = [], scalar_prefetch = 0 : i64, scratch_operands = 0 : i64, tpu.core_type = #tpu.core_type<tc>} {
    %get3A = arith.constant 0 : index
    %get3A_0 = arith.constant 0 : index
    %get3A_1 = vector.load %arg0[%get3A, %get3A_0] : memref<32x10240xf32, #tpu.memory_space<vmem>>, vector<32x10240xf32>
    %reduce_sum3A = arith.constant dense<0.000000e+00> : vector<10240xf32>
    %reduce_sum3A_2 = vector.multi_reduction <add>, %get3A_1, %reduce_sum3A [0] : vector<32x10240xf32> to vector<10240xf32>
    %broadcast_in_dim3A = vector.shape_cast %reduce_sum3A_2 : vector<10240xf32> to vector<1x10240xf32>
    %get3A_3 = arith.constant 0 : index
    %get3A_4 = arith.constant 0 : index
    %get3A_5 = vector.load %arg2[%get3A_3, %get3A_4] : memref<1x10240xf32, #tpu.memory_space<vmem>>, vector<1x10240xf32>
    %get3A_6 = arith.constant 0 : index
    %get3A_7 = arith.constant 0 : index
    %get3A_8 = vector.load %arg1[%get3A_6, %get3A_7] : memref<1x10240xf32, #tpu.memory_space<vmem>>, vector<1x10240xf32>
    %add3A = arith.addf %broadcast_in_dim3A, %get3A_8 : vector<1x10240xf32>
    %mul3A = arith.mulf %get3A_5, %add3A : vector<1x10240xf32>
    %swap3A = arith.constant 0 : index
    %swap3A_9 = arith.constant 0 : index
    %swap3A_10 = vector.load %arg3[%swap3A, %swap3A_9] : memref<1x10240xf32, #tpu.memory_space<vmem>>, vector<1x10240xf32>
    tpu.vector_store %arg3[%swap3A, %swap3A_9], %mul3A {strides = array<i32>} : memref<1x10240xf32, #tpu.memory_space<vmem>>, vector<1x10240xf32>,
    return
  }
}

module attributes {stable_mosaic.version = 14 : i64} {
  func.func @_tc_b2_body(%arg0: memref<10240x1xf32, #tpu.memory_space<vmem>>, %arg1: memref<10240x1xf32, #tpu.memory_space<vmem>>, %arg2: memref<1x64xf32, #tpu.memory_space<vmem>>, %arg3: memref<1x64xf32, #tpu.memory_space<vmem>>, %arg4: memref<1x64xf32, #tpu.memory_space<vmem>>, %arg5: memref<1x64xf32, #tpu.memory_space<vmem>>, %arg6: memref<64x64xf32, #tpu.memory_space<vmem>>, %arg7: memref<10240x128xf32, #tpu.memory_space<vmem>>) attributes {dimension_semantics = [], scalar_prefetch = 0 : i64, scratch_operands = 0 : i64, tpu.core_type = #tpu.core_type<tc>} {
    %get3A = arith.constant 0 : index
    %get3A_0 = arith.constant 0 : index
    %get3A_1 = vector.load %arg4[%get3A, %get3A_0] : memref<1x64xf32, #tpu.memory_space<vmem>>, vector<1x64xf32>
    %mul3A = arith.constant 0.999994993 : f32
    %mul3A_2 = vector.broadcast %mul3A : f32 to vector<1x64xf32>
    %mul3A_3 = arith.mulf %get3A_1, %mul3A_2 : vector<1x64xf32>
    %get3A_4 = arith.constant 0 : index
    %get3A_5 = arith.constant 0 : index
    %get3A_6 = vector.load %arg0[%get3A_4, %get3A_5] : memref<10240x1xf32, #tpu.memory_space<vmem>>, vector<10240x1xf32>
    %get3A_7 = arith.constant 0 : index
    %get3A_8 = arith.constant 0 : index
    %get3A_9 = vector.load %arg2[%get3A_7, %get3A_8] : memref<1x64xf32, #tpu.memory_space<vmem>>, vector<1x64xf32>
    %mul3A_10 = vector.broadcast %get3A_6 : vector<10240x1xf32> to vector<10240x64xf32>
    %mul3A_11 = vector.broadcast %get3A_9 : vector<1x64xf32> to vector<10240x64xf32>
    %mul3A_12 = arith.mulf %mul3A_10, %mul3A_11 : vector<10240x64xf32>
    %get3A_13 = arith.constant 0 : index
    %get3A_14 = arith.constant 0 : index
    %get3A_15 = vector.load %arg3[%get3A_13, %get3A_14] : memref<1x64xf32, #tpu.memory_space<vmem>>, vector<1x64xf32>
    %add3A = vector.broadcast %get3A_15 : vector<1x64xf32> to vector<10240x64xf32>
    %add3A_16 = arith.addf %mul3A_12, %add3A : vector<10240x64xf32>
    %mul3A_17 = vector.broadcast %mul3A_3 : vector<1x64xf32> to vector<10240x64xf32>
    %mul3A_18 = arith.mulf %add3A_16, %mul3A_17 : vector<10240x64xf32>
    %get3A_19 = arith.constant 0 : index
    %get3A_20 = arith.constant 0 : index
    %get3A_21 = vector.load %arg5[%get3A_19, %get3A_20] : memref<1x64xf32, #tpu.memory_space<vmem>>, vector<1x64xf32>
    %add3A_22 = vector.broadcast %get3A_21 : vector<1x64xf32> to vector<10240x64xf32>
    %add3A_23 = arith.addf %mul3A_18, %add3A_22 : vector<10240x64xf32>
    %max3A = arith.constant 0.000000e+00 : f32
    %max3A_24 = vector.broadcast %max3A : f32 to vector<10240x64xf32>
    %max3A_25 = arith.maximumf %add3A_23, %max3A_24 : vector<10240x64xf32>
    %get3A_26 = arith.constant 0 : index
    %get3A_27 = arith.constant 0 : index
    %get3A_28 = vector.load %arg1[%get3A_26, %get3A_27] : memref<10240x1xf32, #tpu.memory_space<vmem>>, vector<10240x1xf32>
    %get3A_29 = arith.constant 0 : index
    %get3A_30 = arith.constant 0 : index
    %get3A_31 = vector.load %arg6[%get3A_29, %get3A_30] : memref<64x64xf32, #tpu.memory_space<vmem>>, vector<64x64xf32>
    %dot_general3A = arith.constant dense<0.000000e+00> : vector<10240x64xf32>
    %dot_general3A_32 = tpu.matmul %max3A_25, %get3A_31, %dot_general3A {dimension_numbers = #tpu.dot_dimension_numbers<[1], [0], [0], [1], [0, 0, 1, 1], [], []>, transpose_lhs_hint = false} : vector<10240x64xf32>, vector<64x64xf32>, vector<10240x64xf32> -> vector<10240x64xf32>
    %mul3A_33 = vector.broadcast %get3A_28 : vector<10240x1xf32> to vector<10240x64xf32>
    %mul3A_34 = arith.mulf %mul3A_33, %dot_general3A_32 : vector<10240x64xf32>
    %broadcast_in_dim3A = arith.constant 0.000000e+00 : f32
    %broadcast_in_dim3A_35 = vector.broadcast %broadcast_in_dim3A : f32 to vector<10240x64xf32>
    %concatenate3A = tpu.concatenate %mul3A_34, %broadcast_in_dim3A_35 in 1 : vector<10240x64xf32>, vector<10240x64xf32> -> vector<10240x128xf32>
    %swap3A = arith.constant 0 : index
    %swap3A_36 = arith.constant 0 : index
    %swap3A_37 = vector.load %arg7[%swap3A, %swap3A_36] : memref<10240x128xf32, #tpu.memory_space<vmem>>, vector<10240x128xf32>
    tpu.vector_store %arg7[%swap3A, %swap3A_36], %concatenate3A {strides = array<i32>} : memref<10240x128xf32, #tpu.memory_space<vmem>>, vector<10240x128xf32>,
    return
  }
}

module attributes {stable_mosaic.version = 14 : i64} {
  func.func @_tc_c_body(%arg0: memref<10240x128xf32, #tpu.memory_space<vmem>>, %arg1: memref<10240x128xf32, #tpu.memory_space<vmem>>, %arg2: memref<10240x128xf32, #tpu.memory_space<vmem>>, %arg3: memref<10240x1xf32, #tpu.memory_space<vmem>>, %arg4: memref<1x64xf32, #tpu.memory_space<vmem>>, %arg5: memref<1x64xf32, #tpu.memory_space<vmem>>, %arg6: memref<1x64xf32, #tpu.memory_space<vmem>>, %arg7: memref<10240x128xf32, #tpu.memory_space<vmem>>) attributes {dimension_semantics = [], scalar_prefetch = 0 : i64, scratch_operands = 0 : i64, tpu.core_type = #tpu.core_type<tc>} {
    %get3A = arith.constant 0 : index
    %get3A_0 = arith.constant 0 : index
    %get3A_1 = vector.load %arg5[%get3A, %get3A_0] : memref<1x64xf32, #tpu.memory_space<vmem>>, vector<1x64xf32>
    %mul3A = arith.constant 0.999994993 : f32
    %mul3A_2 = vector.broadcast %mul3A : f32 to vector<1x64xf32>
    %mul3A_3 = arith.mulf %get3A_1, %mul3A_2 : vector<1x64xf32>
    %get3A_4 = arith.constant 0 : index
    %get3A_5 = arith.constant 0 : index
    %get3A_6 = vector.load %arg0[%get3A_4, %get3A_5] : memref<10240x128xf32, #tpu.memory_space<vmem>>, vector<10240x128xf32>
    %get3A_7 = arith.constant 0 : index
    %get3A_8 = arith.constant 0 : index
    %get3A_9 = vector.load %arg1[%get3A_7, %get3A_8] : memref<10240x128xf32, #tpu.memory_space<vmem>>, vector<10240x128xf32>
    %add3A = arith.addf %get3A_6, %get3A_9 : vector<10240x128xf32>
    %get3A_10 = arith.constant 0 : index
    %get3A_11 = arith.constant 0 : index
    %get3A_12 = vector.load %arg2[%get3A_10, %get3A_11] : memref<10240x128xf32, #tpu.memory_space<vmem>>, vector<10240x128xf32>
    %add3A_13 = arith.addf %add3A, %get3A_12 : vector<10240x128xf32>
    %slice3A = vector.extract_strided_slice %add3A_13 {offsets = [0, 0], sizes = [10240, 64], strides = [1, 1]} : vector<10240x128xf32> to vector<10240x64xf32>
    %get3A_14 = arith.constant 0 : index
    %get3A_15 = arith.constant 0 : index
    %get3A_16 = vector.load %arg3[%get3A_14, %get3A_15] : memref<10240x1xf32, #tpu.memory_space<vmem>>, vector<10240x1xf32>
    %mul3A_17 = vector.broadcast %get3A_16 : vector<10240x1xf32> to vector<10240x64xf32>
    %mul3A_18 = arith.mulf %mul3A_17, %slice3A : vector<10240x64xf32>
    %get3A_19 = arith.constant 0 : index
    %get3A_20 = arith.constant 0 : index
    %get3A_21 = vector.load %arg4[%get3A_19, %get3A_20] : memref<1x64xf32, #tpu.memory_space<vmem>>, vector<1x64xf32>
    %add3A_22 = vector.broadcast %get3A_21 : vector<1x64xf32> to vector<10240x64xf32>
    %add3A_23 = arith.addf %mul3A_18, %add3A_22 : vector<10240x64xf32>
    %mul3A_24 = vector.broadcast %mul3A_3 : vector<1x64xf32> to vector<10240x64xf32>
    %mul3A_25 = arith.mulf %add3A_23, %mul3A_24 : vector<10240x64xf32>
    %get3A_26 = arith.constant 0 : index
    %get3A_27 = arith.constant 0 : index
    %get3A_28 = vector.load %arg6[%get3A_26, %get3A_27] : memref<1x64xf32, #tpu.memory_space<vmem>>, vector<1x64xf32>
    %add3A_29 = vector.broadcast %get3A_28 : vector<1x64xf32> to vector<10240x64xf32>
    %add3A_30 = arith.addf %mul3A_25, %add3A_29 : vector<10240x64xf32>
    %max3A = arith.constant 0.000000e+00 : f32
    %max3A_31 = vector.broadcast %max3A : f32 to vector<10240x64xf32>
    %max3A_32 = arith.maximumf %add3A_30, %max3A_31 : vector<10240x64xf32>
    %broadcast_in_dim3A = arith.constant 0.000000e+00 : f32
    %broadcast_in_dim3A_33 = vector.broadcast %broadcast_in_dim3A : f32 to vector<10240x64xf32>
    %concatenate3A = tpu.concatenate %max3A_32, %broadcast_in_dim3A_33 in 1 : vector<10240x64xf32>, vector<10240x64xf32> -> vector<10240x128xf32>
    %swap3A = arith.constant 0 : index
    %swap3A_34 = arith.constant 0 : index
    %swap3A_35 = vector.load %arg7[%swap3A, %swap3A_34] : memref<10240x128xf32, #tpu.memory_space<vmem>>, vector<10240x128xf32>
    tpu.vector_store %arg7[%swap3A, %swap3A_34], %concatenate3A {strides = array<i32>} : memref<10240x128xf32, #tpu.memory_space<vmem>>, vector<10240x128xf32>,
    return
  }
}

module attributes {stable_mosaic.version = 14 : i64} {
  func.func @_lstm_body(%arg0: i32, %arg1: memref<1000x128xf32, #tpu.memory_space<vmem>>, %arg2: memref<1000x128xf32, #tpu.memory_space<vmem>>, %arg3: memref<1000x2xf32, #tpu.memory_space<vmem>>, %arg4: memref<128x256xf32, #tpu.memory_space<vmem>>, %arg5: memref<128x256xf32, #tpu.memory_space<vmem>>, %arg6: memref<2x256xf32, #tpu.memory_space<vmem>>, %arg7: memref<1x256xf32, #tpu.memory_space<vmem>>, %arg8: memref<64x64xf32, #tpu.memory_space<vmem>>, %arg9: memref<64x64xf32, #tpu.memory_space<vmem>>, %arg10: memref<64x64xf32, #tpu.memory_space<vmem>>, %arg11: memref<64x64xf32, #tpu.memory_space<vmem>>, %arg12: memref<1000x64xf32, #tpu.memory_space<vmem>>, %arg13: memref<1000x64xf32, #tpu.memory_space<vmem>>, %arg14: memref<1000x64xf32, #tpu.memory_space<vmem>>, %arg15: memref<1000x64xf32, #tpu.memory_space<vmem>>, %arg16: memref<1000x64xf32, #tpu.memory_space<vmem>>, %arg17: memref<1x64xf32, #tpu.memory_space<vmem>>, %arg18: memref<1x64xf32, #tpu.memory_space<vmem>>) attributes {dimension_semantics = [#tpu.dimension_semantics<arbitrary>], iteration_bounds = array<i64: 160>, scalar_prefetch = 0 : i64, scratch_operands = 6 : i64, tpu.core_type = #tpu.core_type<tc>, window_params = [{transform_indices = @transform_0, window_bounds = array<i64: 1000, 128>}, {transform_indices = @transform_1, window_bounds = array<i64: 1000, 128>}, {transform_indices = @transform_2, window_bounds = array<i64: 1000, 2>}, {pipeline_mode = #tpu.pipeline_mode<synchronous>, transform_indices = @transform_3, window_bounds = array<i64: 128, 256>}, {pipeline_mode = #tpu.pipeline_mode<synchronous>, transform_indices = @transform_4, window_bounds = array<i64: 128, 256>}, {pipeline_mode = #tpu.pipeline_mode<synchronous>, transform_indices = @transform_5, window_bounds = array<i64: 2, 256>}, {pipeline_mode = #tpu.pipeline_mode<synchronous>, transform_indices = @transform_6, window_bounds = array<i64: 1, 256>}, {pipeline_mode = #tpu.pipeline_mode<synchronous>, transform_indices = @transform_7, window_bounds = array<i64: 64, 64>}, {pipeline_mode = #tpu.pipeline_mode<synchronous>, transform_indices = @transform_8, window_bounds = array<i64: 64, 64>}, {pipeline_mode = #tpu.pipeline_mode<synchronous>, transform_indices = @transform_9, window_bounds = array<i64: 64, 64>}, {pipeline_mode = #tpu.pipeline_mode<synchronous>, transform_indices = @transform_10, window_bounds = array<i64: 64, 64>}, {transform_indices = @transform_11, window_bounds = array<i64: 1000, 64>}]} {
    %get3A = arith.constant 0 : index
    %get3A_0 = arith.constant 0 : index
    %get3A_1 = vector.load %arg1[%get3A, %get3A_0] : memref<1000x128xf32, #tpu.memory_space<vmem>>, vector<1000x128xf32>
    %get3A_2 = arith.constant 0 : index
    %get3A_3 = arith.constant 0 : index
    %get3A_4 = vector.load %arg4[%get3A_2, %get3A_3] : memref<128x256xf32, #tpu.memory_space<vmem>>, vector<128x256xf32>
    %dot_general3A = arith.constant dense<0.000000e+00> : vector<1000x256xf32>
    %dot_general3A_5 = tpu.matmul %get3A_1, %get3A_4, %dot_general3A {dimension_numbers = #tpu.dot_dimension_numbers<[1], [0], [0], [1], [0, 0, 1, 1], [], []>, transpose_lhs_hint = false} : vector<1000x128xf32>, vector<128x256xf32>, vector<1000x256xf32> -> vector<1000x256xf32>
    %get3A_6 = arith.constant 0 : index
    %get3A_7 = arith.constant 0 : index
    %get3A_8 = vector.load %arg2[%get3A_6, %get3A_7] : memref<1000x128xf32, #tpu.memory_space<vmem>>, vector<1000x128xf32>
    %get3A_9 = arith.constant 0 : index
    %get3A_10 = arith.constant 0 : index
    %get3A_11 = vector.load %arg5[%get3A_9, %get3A_10] : memref<128x256xf32, #tpu.memory_space<vmem>>, vector<128x256xf32>
    %dot_general3A_12 = arith.constant dense<0.000000e+00> : vector<1000x256xf32>
    %dot_general3A_13 = tpu.matmul %get3A_8, %get3A_11, %dot_general3A_12 {dimension_numbers = #tpu.dot_dimension_numbers<[1], [0], [0], [1], [0, 0, 1, 1], [], []>, transpose_lhs_hint = false} : vector<1000x128xf32>, vector<128x256xf32>, vector<1000x256xf32> -> vector<1000x256xf32>
    %add3A = arith.addf %dot_general3A_5, %dot_general3A_13 : vector<1000x256xf32>
    %get3A_14 = arith.constant 0 : index
    %get3A_15 = arith.constant 0 : index
    %get3A_16 = vector.load %arg3[%get3A_14, %get3A_15] : memref<1000x2xf32, #tpu.memory_space<vmem>>, vector<1000x2xf32>
    %get3A_17 = arith.constant 0 : index
    %get3A_18 = arith.constant 0 : index
    %get3A_19 = vector.load %arg6[%get3A_17, %get3A_18] : memref<2x256xf32, #tpu.memory_space<vmem>>, vector<2x256xf32>
    %dot_general3A_20 = arith.constant dense<0.000000e+00> : vector<1000x256xf32>
    %dot_general3A_21 = tpu.matmul %get3A_16, %get3A_19, %dot_general3A_20 {dimension_numbers = #tpu.dot_dimension_numbers<[1], [0], [0], [1], [0, 0, 1, 1], [], []>, transpose_lhs_hint = false} : vector<1000x2xf32>, vector<2x256xf32>, vector<1000x256xf32> -> vector<1000x256xf32>
    %add3A_22 = arith.addf %add3A, %dot_general3A_21 : vector<1000x256xf32>
    %get3A_23 = arith.constant 0 : index
    %get3A_24 = arith.constant 0 : index
    %get3A_25 = vector.load %arg7[%get3A_23, %get3A_24] : memref<1x256xf32, #tpu.memory_space<vmem>>, vector<1x256xf32>
    %add3A_26 = vector.broadcast %get3A_25 : vector<1x256xf32> to vector<1000x256xf32>
    %add3A_27 = arith.addf %add3A_22, %add3A_26 : vector<1000x256xf32>
    %slice3A = vector.extract_strided_slice %add3A_27 {offsets = [0, 0], sizes = [1000, 64], strides = [1, 1]} : vector<1000x256xf32> to vector<1000x64xf32>
    %swap3A = arith.constant 0 : index
    %swap3A_28 = arith.constant 0 : index
    %swap3A_29 = vector.load %arg13[%swap3A, %swap3A_28] : memref<1000x64xf32, #tpu.memory_space<vmem>>, vector<1000x64xf32>
    tpu.vector_store %arg13[%swap3A, %swap3A_28], %slice3A {strides = array<i32>} : memref<1000x64xf32, #tpu.memory_space<vmem>>, vector<1000x64xf32>,
    %slice3A_30 = vector.extract_strided_slice %add3A_27 {offsets = [0, 64], sizes = [1000, 64], strides = [1, 1]} : vector<1000x256xf32> to vector<1000x64xf32>
    %swap3A_31 = arith.constant 0 : index
    %swap3A_32 = arith.constant 0 : index
    %swap3A_33 = vector.load %arg14[%swap3A_31, %swap3A_32] : memref<1000x64xf32, #tpu.memory_space<vmem>>, vector<1000x64xf32>
    tpu.vector_store %arg14[%swap3A_31, %swap3A_32], %slice3A_30 {strides = array<i32>} : memref<1000x64xf32, #tpu.memory_space<vmem>>, vector<1000x64xf32>,
    %slice3A_34 = vector.extract_strided_slice %add3A_27 {offsets = [0, 128], sizes = [1000, 64], strides = [1, 1]} : vector<1000x256xf32> to vector<1000x64xf32>
    %swap3A_35 = arith.constant 0 : index
    %swap3A_36 = arith.constant 0 : index
    %swap3A_37 = vector.load %arg15[%swap3A_35, %swap3A_36] : memref<1000x64xf32, #tpu.memory_space<vmem>>, vector<1000x64xf32>
    tpu.vector_store %arg15[%swap3A_35, %swap3A_36], %slice3A_34 {strides = array<i32>} : memref<1000x64xf32, #tpu.memory_space<vmem>>, vector<1000x64xf32>,
    %slice3A_38 = vector.extract_strided_slice %add3A_27 {offsets = [0, 192], sizes = [1000, 64], strides = [1, 1]} : vector<1000x256xf32> to vector<1000x64xf32>
    %swap3A_39 = arith.constant 0 : index
    %swap3A_40 = arith.constant 0 : index
    %swap3A_41 = vector.load %arg16[%swap3A_39, %swap3A_40] : memref<1000x64xf32, #tpu.memory_space<vmem>>, vector<1000x64xf32>
    tpu.vector_store %arg16[%swap3A_39, %swap3A_40], %slice3A_38 {strides = array<i32>} : memref<1000x64xf32, #tpu.memory_space<vmem>>, vector<1000x64xf32>,
    %eq3A = arith.constant 0 : i32
    %eq3A_42 = arith.cmpi eq, %arg0, %eq3A : i32
    %convert_element_type3A = arith.extui %eq3A_42 : i1 to i32
    %cond3A = arith.constant 0 : i32
    %cond3A_43 = arith.cmpi ne, %convert_element_type3A, %cond3A : i32
    scf.if %cond3A_43 {
      %broadcast_in_dim3A_81 = arith.constant 0.000000e+00 : f32
      %broadcast_in_dim3A_82 = vector.broadcast %broadcast_in_dim3A_81 : f32 to vector<1x64xf32>
      %swap3A_83 = arith.constant 0 : index
      %swap3A_84 = arith.constant 0 : index
      %swap3A_85 = vector.load %arg17[%swap3A_83, %swap3A_84] : memref<1x64xf32, #tpu.memory_space<vmem>>, vector<1x64xf32>
      tpu.vector_store %arg17[%swap3A_83, %swap3A_84], %broadcast_in_dim3A_82 {strides = array<i32>} : memref<1x64xf32, #tpu.memory_space<vmem>>, vector<1x64xf32>,
      %broadcast_in_dim3A_86 = arith.constant 0.000000e+00 : f32
      %broadcast_in_dim3A_87 = vector.broadcast %broadcast_in_dim3A_86 : f32 to vector<1x64xf32>
      %swap3A_88 = arith.constant 0 : index
      %swap3A_89 = arith.constant 0 : index
      %swap3A_90 = vector.load %arg18[%swap3A_88, %swap3A_89] : memref<1x64xf32, #tpu.memory_space<vmem>>, vector<1x64xf32>
      tpu.vector_store %arg18[%swap3A_88, %swap3A_89], %broadcast_in_dim3A_87 {strides = array<i32>} : memref<1x64xf32, #tpu.memory_space<vmem>>, vector<1x64xf32>,
    } else {
    }
    %get3A_44 = arith.constant 0 : index
    %get3A_45 = arith.constant 0 : index
    %get3A_46 = vector.load %arg8[%get3A_44, %get3A_45] : memref<64x64xf32, #tpu.memory_space<vmem>>, vector<64x64xf32>
    %get3A_47 = arith.constant 0 : index
    %get3A_48 = arith.constant 0 : index
    %get3A_49 = vector.load %arg9[%get3A_47, %get3A_48] : memref<64x64xf32, #tpu.memory_space<vmem>>, vector<64x64xf32>
    %get3A_50 = arith.constant 0 : index
    %get3A_51 = arith.constant 0 : index
    %get3A_52 = vector.load %arg10[%get3A_50, %get3A_51] : memref<64x64xf32, #tpu.memory_space<vmem>>, vector<64x64xf32>
    %get3A_53 = arith.constant 0 : index
    %get3A_54 = arith.constant 0 : index
    %get3A_55 = vector.load %arg11[%get3A_53, %get3A_54] : memref<64x64xf32, #tpu.memory_space<vmem>>, vector<64x64xf32>
    %get3A_56 = arith.constant 0 : index
    %get3A_57 = arith.constant 0 : index
    %get3A_58 = vector.load %arg17[%get3A_56, %get3A_57] : memref<1x64xf32, #tpu.memory_space<vmem>>, vector<1x64xf32>
    %get3A_59 = arith.constant 0 : index
    %get3A_60 = arith.constant 0 : index
    %get3A_61 = vector.load %arg18[%get3A_59, %get3A_60] : memref<1x64xf32, #tpu.memory_space<vmem>>, vector<1x64xf32>
    %broadcast_in_dim3A = arith.constant 0.000000e+00 : f32
    %broadcast_in_dim3A_62 = vector.broadcast %broadcast_in_dim3A : f32 to vector<64x64xf32>
    %get3A_63 = arith.constant 0 : index
    %get3A_64 = arith.constant 0 : index
    %get3A_65 = vector.load %arg17[%get3A_63, %get3A_64] : memref<1x64xf32, #tpu.memory_space<vmem>>, vector<1x1xf32>
    %get3A_66 = vector.extract %get3A_65[0, 0] : f32 from vector<1x1xf32>
    %mul3A = arith.constant 0.000000e+00 : f32
    %mul3A_67 = arith.mulf %get3A_66, %mul3A : f32
    %add3A_68 = vector.broadcast %mul3A_67 : f32 to vector<64x64xf32>
    %add3A_69 = arith.addf %broadcast_in_dim3A_62, %add3A_68 : vector<64x64xf32>
    %scan3A = arith.constant 0 : i32
    %scan3A_70 = arith.constant 1000 : i32
    %scan3A_71 = arith.addi %scan3A, %scan3A_70 : i32
    %scan3A_72 = arith.constant 1 : i32
    %scan3A_73:3 = scf.for %scan3A_81 = %scan3A to %scan3A_71 step %scan3A_72 iter_args(%scan3A_82 = %get3A_58, %scan3A_83 = %get3A_61, %scan3A_84 = %add3A_69) -> (vector<1x64xf32>, vector<1x64xf32>, vector<64x64xf32>)  : i32 {
      %get3A_85 = arith.index_cast %scan3A_81 : i32 to index
      %get3A_86 = arith.constant 0 : index
      %get3A_87 = vector.load %arg13[%get3A_85, %get3A_86] : memref<1000x64xf32, #tpu.memory_space<vmem>>, vector<1x64xf32>
      %mul3A_88 = arith.mulf %scan3A_84, %get3A_46 : vector<64x64xf32>
      %slice3A_89 = vector.extract_strided_slice %mul3A_88 {offsets = [0, 0], sizes = [32, 64], strides = [1, 1]} : vector<64x64xf32> to vector<32x64xf32>
      %slice3A_90 = vector.extract_strided_slice %mul3A_88 {offsets = [32, 0], sizes = [32, 64], strides = [1, 1]} : vector<64x64xf32> to vector<32x64xf32>
      %add3A_91 = arith.addf %slice3A_89, %slice3A_90 : vector<32x64xf32>
      %slice3A_92 = vector.extract_strided_slice %add3A_91 {offsets = [0, 0], sizes = [16, 64], strides = [1, 1]} : vector<32x64xf32> to vector<16x64xf32>
      %slice3A_93 = vector.extract_strided_slice %add3A_91 {offsets = [16, 0], sizes = [16, 64], strides = [1, 1]} : vector<32x64xf32> to vector<16x64xf32>
      %add3A_94 = arith.addf %slice3A_92, %slice3A_93 : vector<16x64xf32>
      %slice3A_95 = vector.extract_strided_slice %add3A_94 {offsets = [0, 0], sizes = [8, 64], strides = [1, 1]} : vector<16x64xf32> to vector<8x64xf32>
      %slice3A_96 = vector.extract_strided_slice %add3A_94 {offsets = [8, 0], sizes = [8, 64], strides = [1, 1]} : vector<16x64xf32> to vector<8x64xf32>
      %add3A_97 = arith.addf %slice3A_95, %slice3A_96 : vector<8x64xf32>
      %reduce_sum3A = arith.constant dense<0.000000e+00> : vector<64xf32>
      %reduce_sum3A_98 = vector.multi_reduction <add>, %add3A_97, %reduce_sum3A [0] : vector<8x64xf32> to vector<64xf32>
      %broadcast_in_dim3A_99 = vector.shape_cast %reduce_sum3A_98 : vector<64xf32> to vector<1x64xf32>
      %add3A_100 = arith.addf %get3A_87, %broadcast_in_dim3A_99 : vector<1x64xf32>
      %get3A_101 = arith.index_cast %scan3A_81 : i32 to index
      %get3A_102 = arith.constant 0 : index
      %get3A_103 = vector.load %arg14[%get3A_101, %get3A_102] : memref<1000x64xf32, #tpu.memory_space<vmem>>, vector<1x64xf32>
      %mul3A_104 = arith.mulf %scan3A_84, %get3A_49 : vector<64x64xf32>
      %slice3A_105 = vector.extract_strided_slice %mul3A_104 {offsets = [0, 0], sizes = [32, 64], strides = [1, 1]} : vector<64x64xf32> to vector<32x64xf32>
      %slice3A_106 = vector.extract_strided_slice %mul3A_104 {offsets = [32, 0], sizes = [32, 64], strides = [1, 1]} : vector<64x64xf32> to vector<32x64xf32>
      %add3A_107 = arith.addf %slice3A_105, %slice3A_106 : vector<32x64xf32>
      %slice3A_108 = vector.extract_strided_slice %add3A_107 {offsets = [0, 0], sizes = [16, 64], strides = [1, 1]} : vector<32x64xf32> to vector<16x64xf32>
      %slice3A_109 = vector.extract_strided_slice %add3A_107 {offsets = [16, 0], sizes = [16, 64], strides = [1, 1]} : vector<32x64xf32> to vector<16x64xf32>
      %add3A_110 = arith.addf %slice3A_108, %slice3A_109 : vector<16x64xf32>
      %slice3A_111 = vector.extract_strided_slice %add3A_110 {offsets = [0, 0], sizes = [8, 64], strides = [1, 1]} : vector<16x64xf32> to vector<8x64xf32>
      %slice3A_112 = vector.extract_strided_slice %add3A_110 {offsets = [8, 0], sizes = [8, 64], strides = [1, 1]} : vector<16x64xf32> to vector<8x64xf32>
      %add3A_113 = arith.addf %slice3A_111, %slice3A_112 : vector<8x64xf32>
      %reduce_sum3A_114 = arith.constant dense<0.000000e+00> : vector<64xf32>
      %reduce_sum3A_115 = vector.multi_reduction <add>, %add3A_113, %reduce_sum3A_114 [0] : vector<8x64xf32> to vector<64xf32>
      %broadcast_in_dim3A_116 = vector.shape_cast %reduce_sum3A_115 : vector<64xf32> to vector<1x64xf32>
      %add3A_117 = arith.addf %get3A_103, %broadcast_in_dim3A_116 : vector<1x64xf32>
      %get3A_118 = arith.index_cast %scan3A_81 : i32 to index
      %get3A_119 = arith.constant 0 : index
      %get3A_120 = vector.load %arg15[%get3A_118, %get3A_119] : memref<1000x64xf32, #tpu.memory_space<vmem>>, vector<1x64xf32>
      %mul3A_121 = arith.mulf %scan3A_84, %get3A_52 : vector<64x64xf32>
      %slice3A_122 = vector.extract_strided_slice %mul3A_121 {offsets = [0, 0], sizes = [32, 64], strides = [1, 1]} : vector<64x64xf32> to vector<32x64xf32>
      %slice3A_123 = vector.extract_strided_slice %mul3A_121 {offsets = [32, 0], sizes = [32, 64], strides = [1, 1]} : vector<64x64xf32> to vector<32x64xf32>
      %add3A_124 = arith.addf %slice3A_122, %slice3A_123 : vector<32x64xf32>
      %slice3A_125 = vector.extract_strided_slice %add3A_124 {offsets = [0, 0], sizes = [16, 64], strides = [1, 1]} : vector<32x64xf32> to vector<16x64xf32>
      %slice3A_126 = vector.extract_strided_slice %add3A_124 {offsets = [16, 0], sizes = [16, 64], strides = [1, 1]} : vector<32x64xf32> to vector<16x64xf32>
      %add3A_127 = arith.addf %slice3A_125, %slice3A_126 : vector<16x64xf32>
      %slice3A_128 = vector.extract_strided_slice %add3A_127 {offsets = [0, 0], sizes = [8, 64], strides = [1, 1]} : vector<16x64xf32> to vector<8x64xf32>
      %slice3A_129 = vector.extract_strided_slice %add3A_127 {offsets = [8, 0], sizes = [8, 64], strides = [1, 1]} : vector<16x64xf32> to vector<8x64xf32>
      %add3A_130 = arith.addf %slice3A_128, %slice3A_129 : vector<8x64xf32>
      %reduce_sum3A_131 = arith.constant dense<0.000000e+00> : vector<64xf32>
      %reduce_sum3A_132 = vector.multi_reduction <add>, %add3A_130, %reduce_sum3A_131 [0] : vector<8x64xf32> to vector<64xf32>
      %broadcast_in_dim3A_133 = vector.shape_cast %reduce_sum3A_132 : vector<64xf32> to vector<1x64xf32>
      %add3A_134 = arith.addf %get3A_120, %broadcast_in_dim3A_133 : vector<1x64xf32>
      %get3A_135 = arith.index_cast %scan3A_81 : i32 to index
      %get3A_136 = arith.constant 0 : index
      %get3A_137 = vector.load %arg16[%get3A_135, %get3A_136] : memref<1000x64xf32, #tpu.memory_space<vmem>>, vector<1x64xf32>
      %mul3A_138 = arith.mulf %scan3A_84, %get3A_55 : vector<64x64xf32>
      %slice3A_139 = vector.extract_strided_slice %mul3A_138 {offsets = [0, 0], sizes = [32, 64], strides = [1, 1]} : vector<64x64xf32> to vector<32x64xf32>
      %slice3A_140 = vector.extract_strided_slice %mul3A_138 {offsets = [32, 0], sizes = [32, 64], strides = [1, 1]} : vector<64x64xf32> to vector<32x64xf32>
      %add3A_141 = arith.addf %slice3A_139, %slice3A_140 : vector<32x64xf32>
      %slice3A_142 = vector.extract_strided_slice %add3A_141 {offsets = [0, 0], sizes = [16, 64], strides = [1, 1]} : vector<32x64xf32> to vector<16x64xf32>
      %slice3A_143 = vector.extract_strided_slice %add3A_141 {offsets = [16, 0], sizes = [16, 64], strides = [1, 1]} : vector<32x64xf32> to vector<16x64xf32>
      %add3A_144 = arith.addf %slice3A_142, %slice3A_143 : vector<16x64xf32>
      %slice3A_145 = vector.extract_strided_slice %add3A_144 {offsets = [0, 0], sizes = [8, 64], strides = [1, 1]} : vector<16x64xf32> to vector<8x64xf32>
      %slice3A_146 = vector.extract_strided_slice %add3A_144 {offsets = [8, 0], sizes = [8, 64], strides = [1, 1]} : vector<16x64xf32> to vector<8x64xf32>
      %add3A_147 = arith.addf %slice3A_145, %slice3A_146 : vector<8x64xf32>
      %reduce_sum3A_148 = arith.constant dense<0.000000e+00> : vector<64xf32>
      %reduce_sum3A_149 = vector.multi_reduction <add>, %add3A_147, %reduce_sum3A_148 [0] : vector<8x64xf32> to vector<64xf32>
      %broadcast_in_dim3A_150 = vector.shape_cast %reduce_sum3A_149 : vector<64xf32> to vector<1x64xf32>
      %add3A_151 = arith.addf %get3A_137, %broadcast_in_dim3A_150 : vector<1x64xf32>
      %mul3A_152 = arith.constant 5.000000e-01 : f32
      %mul3A_153 = vector.broadcast %mul3A_152 : f32 to vector<1x64xf32>
      %mul3A_154 = arith.mulf %mul3A_153, %add3A_100 : vector<1x64xf32>
      %tanh3A = math.tanh %mul3A_154 : vector<1x64xf32>
      %mul3A_155 = arith.constant 5.000000e-01 : f32
      %mul3A_156 = vector.broadcast %mul3A_155 : f32 to vector<1x64xf32>
      %mul3A_157 = arith.mulf %mul3A_156, %tanh3A : vector<1x64xf32>
      %add3A_158 = arith.constant 5.000000e-01 : f32
      %add3A_159 = vector.broadcast %add3A_158 : f32 to vector<1x64xf32>
      %add3A_160 = arith.addf %mul3A_157, %add3A_159 : vector<1x64xf32>
      %mul3A_161 = arith.constant 5.000000e-01 : f32
      %mul3A_162 = vector.broadcast %mul3A_161 : f32 to vector<1x64xf32>
      %mul3A_163 = arith.mulf %mul3A_162, %add3A_117 : vector<1x64xf32>
      %tanh3A_164 = math.tanh %mul3A_163 : vector<1x64xf32>
      %mul3A_165 = arith.constant 5.000000e-01 : f32
      %mul3A_166 = vector.broadcast %mul3A_165 : f32 to vector<1x64xf32>
      %mul3A_167 = arith.mulf %mul3A_166, %tanh3A_164 : vector<1x64xf32>
      %add3A_168 = arith.constant 5.000000e-01 : f32
      %add3A_169 = vector.broadcast %add3A_168 : f32 to vector<1x64xf32>
      %add3A_170 = arith.addf %mul3A_167, %add3A_169 : vector<1x64xf32>
      %tanh3A_171 = math.tanh %add3A_134 : vector<1x64xf32>
      %mul3A_172 = arith.constant 5.000000e-01 : f32
      %mul3A_173 = vector.broadcast %mul3A_172 : f32 to vector<1x64xf32>
      %mul3A_174 = arith.mulf %mul3A_173, %add3A_151 : vector<1x64xf32>
      %tanh3A_175 = math.tanh %mul3A_174 : vector<1x64xf32>
      %mul3A_176 = arith.constant 5.000000e-01 : f32
      %mul3A_177 = vector.broadcast %mul3A_176 : f32 to vector<1x64xf32>
      %mul3A_178 = arith.mulf %mul3A_177, %tanh3A_175 : vector<1x64xf32>
      %add3A_179 = arith.constant 5.000000e-01 : f32
      %add3A_180 = vector.broadcast %add3A_179 : f32 to vector<1x64xf32>
      %add3A_181 = arith.addf %mul3A_178, %add3A_180 : vector<1x64xf32>
      %mul3A_182 = arith.mulf %add3A_170, %scan3A_83 : vector<1x64xf32>
      %mul3A_183 = arith.mulf %add3A_160, %tanh3A_171 : vector<1x64xf32>
      %add3A_184 = arith.addf %mul3A_182, %mul3A_183 : vector<1x64xf32>
      %tanh3A_185 = math.tanh %add3A_184 : vector<1x64xf32>
      %mul3A_186 = arith.mulf %add3A_181, %tanh3A_185 : vector<1x64xf32>
      %swap3A_187 = arith.index_cast %scan3A_81 : i32 to index
      %swap3A_188 = arith.constant 0 : index
      %swap3A_189 = vector.load %arg12[%swap3A_187, %swap3A_188] : memref<1000x64xf32, #tpu.memory_space<vmem>>, vector<1x64xf32>
      tpu.vector_store %arg12[%swap3A_187, %swap3A_188], %mul3A_186 {strides = array<i32>} : memref<1000x64xf32, #tpu.memory_space<vmem>>, vector<1x64xf32>,
      %reshape3A = vector.shape_cast %mul3A_186 : vector<1x64xf32> to vector<64x1xf32>
      %broadcast_in_dim3A_190 = vector.shape_cast %reshape3A : vector<64x1xf32> to vector<64x1xf32>
      %broadcast_in_dim3A_191 = vector.broadcast %broadcast_in_dim3A_190 : vector<64x1xf32> to vector<64x64xf32>
      scf.yield %mul3A_186, %add3A_184, %broadcast_in_dim3A_191 : vector<1x64xf32>, vector<1x64xf32>, vector<64x64xf32>
    }
    %scan3A_74 = arith.constant 1000 : i32
    %swap3A_75 = arith.constant 0 : index
    %swap3A_76 = arith.constant 0 : index
    %swap3A_77 = vector.load %arg17[%swap3A_75, %swap3A_76] : memref<1x64xf32, #tpu.memory_space<vmem>>, vector<1x64xf32>
    tpu.vector_store %arg17[%swap3A_75, %swap3A_76], %scan3A_73#0 {strides = array<i32>} : memref<1x64xf32, #tpu.memory_space<vmem>>, vector<1x64xf32>,
    %swap3A_78 = arith.constant 0 : index
    %swap3A_79 = arith.constant 0 : index
    %swap3A_80 = vector.load %arg18[%swap3A_78, %swap3A_79] : memref<1x64xf32, #tpu.memory_space<vmem>>, vector<1x64xf32>
    tpu.vector_store %arg18[%swap3A_78, %swap3A_79], %scan3A_73#1 {strides = array<i32>} : memref<1x64xf32, #tpu.memory_space<vmem>>, vector<1x64xf32>,
    return
  }
  func.func @transform_0(%arg0: i32) -> (i32, i32) {
    %c0_i32 = arith.constant 0 : i32
    %c0_i32_0 = arith.constant 0 : i32
    return %arg0, %c0_i32 : i32, i32
  }
  func.func @transform_1(%arg0: i32) -> (i32, i32) {
    %c0_i32 = arith.constant 0 : i32
    %c0_i32_0 = arith.constant 0 : i32
    return %arg0, %c0_i32 : i32, i32
  }
  func.func @transform_2(%arg0: i32) -> (i32, i32) {
    %c0_i32 = arith.constant 0 : i32
    %c0_i32_0 = arith.constant 0 : i32
    return %arg0, %c0_i32 : i32, i32
  }
  func.func @transform_3(%arg0: i32) -> (i32, i32) {
    %c0_i32 = arith.constant 0 : i32
    %c0_i32_0 = arith.constant 0 : i32
    %c0_i32_1 = arith.constant 0 : i32
    return %c0_i32, %c0_i32_0 : i32, i32
  }
  func.func @transform_4(%arg0: i32) -> (i32, i32) {
    %c0_i32 = arith.constant 0 : i32
    %c0_i32_0 = arith.constant 0 : i32
    %c0_i32_1 = arith.constant 0 : i32
    return %c0_i32, %c0_i32_0 : i32, i32
  }
  func.func @transform_5(%arg0: i32) -> (i32, i32) {
    %c0_i32 = arith.constant 0 : i32
    %c0_i32_0 = arith.constant 0 : i32
    %c0_i32_1 = arith.constant 0 : i32
    return %c0_i32, %c0_i32_0 : i32, i32
  }
  func.func @transform_6(%arg0: i32) -> (i32, i32) {
    %c0_i32 = arith.constant 0 : i32
    %c0_i32_0 = arith.constant 0 : i32
    %c0_i32_1 = arith.constant 0 : i32
    return %c0_i32, %c0_i32_0 : i32, i32
  }
  func.func @transform_7(%arg0: i32) -> (i32, i32) {
    %c0_i32 = arith.constant 0 : i32
    %c0_i32_0 = arith.constant 0 : i32
    %c0_i32_1 = arith.constant 0 : i32
    return %c0_i32, %c0_i32_0 : i32, i32
  }
  func.func @transform_8(%arg0: i32) -> (i32, i32) {
    %c0_i32 = arith.constant 0 : i32
    %c0_i32_0 = arith.constant 0 : i32
    %c0_i32_1 = arith.constant 0 : i32
    return %c0_i32, %c0_i32_0 : i32, i32
  }
  func.func @transform_9(%arg0: i32) -> (i32, i32) {
    %c0_i32 = arith.constant 0 : i32
    %c0_i32_0 = arith.constant 0 : i32
    %c0_i32_1 = arith.constant 0 : i32
    return %c0_i32, %c0_i32_0 : i32, i32
  }
  func.func @transform_10(%arg0: i32) -> (i32, i32) {
    %c0_i32 = arith.constant 0 : i32
    %c0_i32_0 = arith.constant 0 : i32
    %c0_i32_1 = arith.constant 0 : i32
    return %c0_i32, %c0_i32_0 : i32, i32
  }
  func.func @transform_11(%arg0: i32) -> (i32, i32) {
    %c0_i32 = arith.constant 0 : i32
    %c0_i32_0 = arith.constant 0 : i32
    return %arg0, %c0_i32 : i32, i32
  }
}

module attributes {stable_mosaic.version = 14 : i64} {
  func.func @_mlp_body(%arg0: i32, %arg1: memref<8000x64xf32, #tpu.memory_space<vmem>>, %arg2: memref<64x32xf32, #tpu.memory_space<vmem>>, %arg3: memref<1x32xf32, #tpu.memory_space<vmem>>, %arg4: memref<32x1xf32, #tpu.memory_space<vmem>>, %arg5: memref<1x1xf32, #tpu.memory_space<vmem>>, %arg6: memref<8000x1xf32, #tpu.memory_space<vmem>>) attributes {dimension_semantics = [#tpu.dimension_semantics<arbitrary>], iteration_bounds = array<i64: 20>, scalar_prefetch = 0 : i64, scratch_operands = 0 : i64, tpu.core_type = #tpu.core_type<tc>, window_params = [{transform_indices = @transform_0, window_bounds = array<i64: 8000, 64>}, {pipeline_mode = #tpu.pipeline_mode<synchronous>, transform_indices = @transform_1, window_bounds = array<i64: 64, 32>}, {pipeline_mode = #tpu.pipeline_mode<synchronous>, transform_indices = @transform_2, window_bounds = array<i64: 1, 32>}, {pipeline_mode = #tpu.pipeline_mode<synchronous>, transform_indices = @transform_3, window_bounds = array<i64: 32, 1>}, {pipeline_mode = #tpu.pipeline_mode<synchronous>, transform_indices = @transform_4, window_bounds = array<i64: 1, 1>}, {transform_indices = @transform_5, window_bounds = array<i64: 8000, 1>}]} {
    %get3A = arith.constant 0 : index
    %get3A_0 = arith.constant 0 : index
    %get3A_1 = vector.load %arg1[%get3A, %get3A_0] : memref<8000x64xf32, #tpu.memory_space<vmem>>, vector<8000x64xf32>
    %get3A_2 = arith.constant 0 : index
    %get3A_3 = arith.constant 0 : index
    %get3A_4 = vector.load %arg2[%get3A_2, %get3A_3] : memref<64x32xf32, #tpu.memory_space<vmem>>, vector<64x32xf32>
    %dot_general3A = arith.constant dense<0.000000e+00> : vector<8000x32xf32>
    %dot_general3A_5 = tpu.matmul %get3A_1, %get3A_4, %dot_general3A {dimension_numbers = #tpu.dot_dimension_numbers<[1], [0], [0], [1], [0, 0, 1, 1], [], []>, transpose_lhs_hint = false} : vector<8000x64xf32>, vector<64x32xf32>, vector<8000x32xf32> -> vector<8000x32xf32>
    %get3A_6 = arith.constant 0 : index
    %get3A_7 = arith.constant 0 : index
    %get3A_8 = vector.load %arg3[%get3A_6, %get3A_7] : memref<1x32xf32, #tpu.memory_space<vmem>>, vector<1x32xf32>
    %add3A = vector.broadcast %get3A_8 : vector<1x32xf32> to vector<8000x32xf32>
    %add3A_9 = arith.addf %dot_general3A_5, %add3A : vector<8000x32xf32>
    %max3A = arith.constant 0.000000e+00 : f32
    %max3A_10 = vector.broadcast %max3A : f32 to vector<8000x32xf32>
    %max3A_11 = arith.maximumf %add3A_9, %max3A_10 : vector<8000x32xf32>
    %get3A_12 = arith.constant 0 : index
    %get3A_13 = arith.constant 0 : index
    %get3A_14 = vector.load %arg4[%get3A_12, %get3A_13] : memref<32x1xf32, #tpu.memory_space<vmem>>, vector<32x1xf32>
    %dot_general3A_15 = arith.constant dense<0.000000e+00> : vector<8000x1xf32>
    %dot_general3A_16 = tpu.matmul %max3A_11, %get3A_14, %dot_general3A_15 {dimension_numbers = #tpu.dot_dimension_numbers<[1], [0], [0], [1], [0, 0, 1, 1], [], []>, transpose_lhs_hint = false} : vector<8000x32xf32>, vector<32x1xf32>, vector<8000x1xf32> -> vector<8000x1xf32>
    %get3A_17 = arith.constant 0 : index
    %get3A_18 = arith.constant 0 : index
    %get3A_19 = vector.load %arg5[%get3A_17, %get3A_18] : memref<1x1xf32, #tpu.memory_space<vmem>>, vector<1x1xf32>
    %add3A_20 = vector.broadcast %get3A_19 : vector<1x1xf32> to vector<8000x1xf32>
    %add3A_21 = arith.addf %dot_general3A_16, %add3A_20 : vector<8000x1xf32>
    %swap3A = arith.constant 0 : index
    %swap3A_22 = arith.constant 0 : index
    %swap3A_23 = vector.load %arg6[%swap3A, %swap3A_22] : memref<8000x1xf32, #tpu.memory_space<vmem>>, vector<8000x1xf32>
    tpu.vector_store %arg6[%swap3A, %swap3A_22], %add3A_21 {strides = array<i32>} : memref<8000x1xf32, #tpu.memory_space<vmem>>, vector<8000x1xf32>,
    return
  }
  func.func @transform_0(%arg0: i32) -> (i32, i32) {
    %c0_i32 = arith.constant 0 : i32
    %c0_i32_0 = arith.constant 0 : i32
    return %arg0, %c0_i32 : i32, i32
  }
  func.func @transform_1(%arg0: i32) -> (i32, i32) {
    %c0_i32 = arith.constant 0 : i32
    %c0_i32_0 = arith.constant 0 : i32
    %c0_i32_1 = arith.constant 0 : i32
    return %c0_i32, %c0_i32_0 : i32, i32
  }
  func.func @transform_2(%arg0: i32) -> (i32, i32) {
    %c0_i32 = arith.constant 0 : i32
    %c0_i32_0 = arith.constant 0 : i32
    %c0_i32_1 = arith.constant 0 : i32
    return %c0_i32, %c0_i32_0 : i32, i32
  }
  func.func @transform_3(%arg0: i32) -> (i32, i32) {
    %c0_i32 = arith.constant 0 : i32
    %c0_i32_0 = arith.constant 0 : i32
    %c0_i32_1 = arith.constant 0 : i32
    return %c0_i32, %c0_i32_0 : i32, i32
  }
  func.func @transform_4(%arg0: i32) -> (i32, i32) {
    %c0_i32 = arith.constant 0 : i32
    %c0_i32_0 = arith.constant 0 : i32
    %c0_i32_1 = arith.constant 0 : i32
    return %c0_i32, %c0_i32_0 : i32, i32
  }
  func.func @transform_5(%arg0: i32) -> (i32, i32) {
    %c0_i32 = arith.constant 0 : i32
    %c0_i32_0 = arith.constant 0 : i32
    return %arg0, %c0_i32 : i32, i32
  }
}

</mosaic_0001>

<sc_bundles>
// kernel: kernel.12.cloned.1.call-start
scs
__scs_entry_jumppad:
0x0: {  	(pc) =	sbr.rel $0x88, $3  }
0x1: {  	(tag) =	ssettag $0x0;
	lr =	simm.s32 $0x1  }
0x2: {  	[smem:$0x3F8E] =	sst lr;
	_ =	strace $0xD0000000  }
0x3: {  	_ = 	snop  }
0x4: {  	_ = 	snop  }
0x5: {  	_ = 	snop  }
0x6: {  	_ = 	snop  }
0x7: {  	_ = 	snop  }
__scs_overlays_trampoline_lowered:
0x8: {  	[smem:$0x3F9D] =	sst s0  }
0x9: {  	[smem:$0x3F9E] =	sst s1  }
0xa: {  	[smem:$0x3F9F] =	sst s2  }
0xb: {  	[smem:$0x3FA0] =	sst s3  }
0xc: {  	[smem:$0x3FA1] =	sst s4  }
0xd: {  	[smem:$0x3FA2] =	sst s5  }
0xe: {  	[smem:$0x3FA3] =	sst s6  }
0xf: {  	[smem:$0x3FA4] =	sst s7  }
0x10: {  	[smem:$0x3FA5] =	sst s8  }
0x11: {  	[smem:$0x3FA6] =	sst s9;
	s0 =	simm.s32 @!p0 $0x0  }
0x12: {  	s1 =	sld [smem:$0x3F8C];
	s0 =	simm.s32 @p0 $0x1  }
0x13: {  	[smem:$0x3FA7] =	sst s0;
	s0 =	simm.s32 @!p1 $0x0  }
0x14: {  	s2 =	sld [smem:$0x3F8B];
	s0 =	simm.s32 @p1 $0x1  }
0x15: {  	[smem:$0x3FA8] =	sst s0;
	s0 =	simm.s32 @!p2 $0x0  }
0x16: {  	s3 =	sld [smem:$0x3FDB];
	s0 =	simm.s32 @p2 $0x1  }
0x17: {  	s4 =	simm.s32 $0x1BF5;
	[smem:$0x3FAA] =	sst s0  }
0x18: {  	s0 =	sld [smem:$0x3F8D];
	_ =	swait.ge [sflag:s4], $0x0  }
0x19: {  	s7 =	sld [smem:$0x3F8E]  }
0x1a: {  	s8 =	sadd.s32 $0xFFFFE003, lr  }
0x1b: {  	s9 =	sadd.s32 $0xFFFFFEF7, lr;
	s5 =	simm.s32 $0xFFFFFFFF;
	p2 =	slt.u32 s8, $0xFFFFF086  }
0x1c: {  	p1 =	slt.u32 s9, $0xF7A;
	s5 =	simm.s32 @!p2 $0x0  }
0x1d: {  	s5 =	simm.s32 @p1 $0x1;
	p0 =	seq.s32 s7, s2  }
0x1e: {  	s7 =	smul.u32 @!p0 $0xF7A, s2;
	p2 =	seq.s32 @!p0 s5, $0x0  }
0x1f: {  	s9 =	smul.u32 $0xF7A, s1;
	s8 =	simm.s32 @!p0 $0x1BF5;
	p2 =	por !p2, p0  }
0x20: {  	[sflag:s8] =	ssyncset.s32 @!p0 $0xFFFFF086;
	s6 =	sadd.s32 @!p0 s3, s7;
	s7 =	simm.s32 @!p0 $0x108  }
0x21: {  	s3 =	sadd.s32 s3, s9;
	s6 =	sadd.s32 @!p0 $0x88, s6;
	s7 =	simm.s32 @p2 $0x1082  }
0x22: {  	[simem:s7], [sflag:s8] =	dma.local @!p0 [hbm:s6], $0xF7A  }
0x23: {  	s9 =	sor.u32 $0xD0000000, s2;
	s6 =	simm.s32 $0x108;
	_ =	swait.ge @!p0 [sflag:s8], $0x0  }
0x24: {  	s3 =	sadd.s32 $0x88, s3;
	s6 =	simm.s32 @!p1 $0x1082;
	[sflag:s4] =	ssyncset.s32 $0xFFFFF086  }
0x25: {  	[simem:s6], [sflag:s4] =	dma.local [hbm:s3], $0xF7A  }
0x26: {  	[smem:$0x3F8E] =	sst s1;
	(tag) =	ssettag s2;
	_ =	strace s9  }
0x27: {  	s1 =	sld [smem:$0x3F9E]  }
0x28: {  	s2 =	sld [smem:$0x3F9F]  }
0x29: {  	s4 =	sld [smem:$0x3FA1]  }
0x2a: {  	p0 =	seq.s32 s5, $0x0;
	s5 =	sld [smem:$0x3FA2]  }
0x2b: {  	s6 =	sld [smem:$0x3FA3]  }
0x2c: {  	s7 =	sld [smem:$0x3FA4]  }
0x2d: {  	s3 =	simm.s32 $0x108;
	s8 =	sld [smem:$0x3FA5]  }
0x2e: {  	s3 =	simm.s32 @!p0 $0x1082;
	s9 =	sld [smem:$0x3FA6]  }
0x2f: {  	lr =	sadd.s32 s0, s3;
	s0 =	sld [smem:$0x3F9D]  }
0x30: {  	s3 =	sld [smem:$0x3FA0]  }
0x31: {  	[smem:$0x3FA9] =	sst s10  }
0x32: {  	s10 =	sld [smem:$0x3FA7];
	_ =	sdelay $0x3  }
0x33: {  	p0 =	seq.s32 s10, $0x1;
	s10 =	sld [smem:$0x3FA9];
	_ =	sdelay $0x3  }
0x34: {  	[smem:$0x3FA9] =	sst s10  }
0x35: {  	s10 =	sld [smem:$0x3FA8];
	_ =	sdelay $0x3  }
0x36: {  	p1 =	seq.s32 s10, $0x1;
	s10 =	sld [smem:$0x3FA9];
	_ =	sdelay $0x3  }
0x37: {  	[smem:$0x3FA9] =	sst s10  }
0x38: {  	s10 =	sld [smem:$0x3FAA]  }
0x39: {  	_ = 	snop;
	(pc) =	sbr.ind lr, $3  }
0x3a: {  	_ = 	snop  }
0x3b: {  	_ = 	snop  }
0x3c: {  	p2 =	seq.s32 s10, $0x1;
	s10 =	sld [smem:$0x3FA9]  }
0x3d: {  	_ =	shalt  }
0x3e: {  	_ =	shalt  }
0x3f: {  	_ =	shalt  }
0x40: {  	_ =	shalt  }
0x41: {  	_ =	shalt  }
0x42: {  	_ =	shalt  }
0x43: {  	_ =	shalt  }
0x44: {  	_ =	shalt  }
0x45: {  	_ =	shalt  }
0x46: {  	_ =	shalt  }
0x47: {  	_ =	shalt  }
0x48: {  	_ =	shalt  }
0x49: {  	_ =	shalt  }
0x4a: {  	_ =	shalt  }
0x4b: {  	_ =	shalt  }
0x4c: {  	_ =	shalt  }
0x4d: {  	_ =	shalt  }
0x4e: {  	_ =	shalt  }
0x4f: {  	_ =	shalt  }
0x50: {  	_ =	shalt  }
0x51: {  	_ =	shalt  }
0x52: {  	_ =	shalt  }
0x53: {  	_ =	shalt  }
0x54: {  	_ =	shalt  }
0x55: {  	_ =	shalt  }
0x56: {  	_ =	shalt  }
0x57: {  	_ =	shalt  }
0x58: {  	_ =	shalt  }
0x59: {  	_ =	shalt  }
0x5a: {  	_ =	shalt  }
0x5b: {  	_ =	shalt  }
0x5c: {  	_ =	shalt  }
0x5d: {  	_ =	shalt  }
0x5e: {  	_ =	shalt  }
0x5f: {  	_ =	shalt  }
0x60: {  	_ =	shalt  }
0x61: {  	_ =	shalt  }
0x62: {  	_ =	shalt  }
0x63: {  	_ =	shalt  }
0x64: {  	_ =	shalt  }
0x65: {  	_ =	shalt  }
0x66: {  	_ =	shalt  }
0x67: {  	_ =	shalt  }
0x68: {  	_ =	shalt  }
0x69: {  	_ =	shalt  }
0x6a: {  	_ =	shalt  }
0x6b: {  	_ =	shalt  }
0x6c: {  	_ =	shalt  }
0x6d: {  	_ =	shalt  }
0x6e: {  	_ =	shalt  }
0x6f: {  	_ =	shalt  }
0x70: {  	_ =	shalt  }
0x71: {  	_ =	shalt  }
0x72: {  	_ =	shalt  }
0x73: {  	_ =	shalt  }
0x74: {  	_ =	shalt  }
0x75: {  	_ =	shalt  }
0x76: {  	_ =	shalt  }
0x77: {  	_ =	shalt  }
0x78: {  	_ =	shalt  }
0x79: {  	_ =	shalt  }
0x7a: {  	_ =	shalt  }
0x7b: {  	_ =	shalt  }
0x7c: {  	_ =	shalt  }
0x7d: {  	_ =	shalt  }
0x7e: {  	_ =	shalt  }
0x7f: {  	_ =	shalt  }
0x80: {  	_ =	shalt  }
0x81: {  	_ =	shalt  }
0x82: {  	_ =	shalt  }
0x83: {  	_ =	shalt  }
0x84: {  	_ =	shalt  }
0x85: {  	_ =	shalt  }
0x86: {  	_ =	shalt  }
0x87: {  	_ =	shalt  }
.Lfunc_end0:
.L_simem_size_0:
called_computation_lowered:
.L_overlay_start_0:
0x88: {  	s2 =	sld [smem:$0x3FD9]  }
0x89: {  	s3 =	sld [smem:$0x3FFE];
	_ =	sdelay $0x1  }
0x8a: {  	s1 =	srdreg.scid  }
0x8b: {  	s0 =	sand.u32 $0x1, s1  }
0x8c: {  	s16 =	sshll.u32 s0, $0xA;
	s2 =	sadd.s32 s3, s2  }
0x8d: {  	s2 =	sadd.s32 s2, s16  }
0x8e: {  	[smem:$0x3FB5] =	sst s2  }
0x8f: {  	_ = 	snop  }
0x90: {  	(tm) =	ssettm $0x1  }
0x91: {  	s17 =	sld [smem:$0x3FFB];
	_ =	sdelay $0x3  }
0x92: {  	_ =	strace s17  }
0x93: {  	s2 =	sld [smem:$0x3FFC];
	_ =	sdelay $0x3  }
0x94: {  	_ =	strace s2  }
0x95: {  	s2 =	sld [smem:$0x3FFD];
	_ =	sdelay $0x3  }
0x96: {  	_ =	strace s2  }
0x97: {  	_ =	strace $0x8FFFFFFF  }
0x98: {  	s18 =	sld [smem:$0x3FDB];
	_ =	sdelay $0x1  }
0x99: {  	s19 =	simm.s32 $_scs_section_size  }
0x9a: {  	s4 =	simm.s32 $_size__tile_overlayer_lowered;
	s5 =	simm.s32 $_tile_overlayer_lowered  }
0x9b: {  	s22 =	simm.s32 $0x1BFF;
	s21 =	sshll.u32 s5, $0x1;
	s2 =	sadd.s32 s19, s18  }
0x9c: {  	s6 =	simm.s32 $0x0;
	s20 =	sshll.u32 s4, $0x1;
	s4 =	sadd.s32 s21, s2  }
0x9d: {  	[timem:s6], [sflag:s22] =	dma.local [hbm:s4], s20  }
0x9e: {  	_ =	swait.ge [sflag:s22], s20  }
0x9f: {  	s3 =	ssub.s32 $0x0, s20;
	[sflag:s22] =	ssyncset.done $0x0  }
0xa0: {  	[sflag:s22] =	ssyncadd.s32 s3;
	_ =	sdelay $0x1  }
0xa1: {  	s23 =	simm.s32 $0x1B8B  }
0xa2: {  	_ =	swait.ge [sflag:s23], $0x1  }
0xa3: {  	[sflag:s23] =	ssyncset.done $0x0  }
0xa4: {  	s25 =	simm.s32 $0x1B8E;
	s24 =	sld [smem:$0x3FFE];
	[sflag:s23] =	ssyncadd.s32 $0xFFFFFFFF  }
0xa5: {  	s26 =	simm.s32 $execute0_lowered;
	[smem:$0x3FD2] =	sst s25  }
0xa6: {  	s4 =	sshll.u32 s26, $0x1;
	_ =	strace $0x80000046;
	[dreg:$0x1] =	wrdreg $0xFFFFFFFF  }
0xa7: {  	s28 =	simm.s32 $_size_execute0_lowered;
	s2 =	sadd.s32 s2, s4;
	[dreg:$0x0] =	wrdreg $0x0  }
0xa8: {  	s4 =	sshll.u32 s28, $0x1;
	[dreg:$0x2] =	wrdreg s2  }
0xa9: {  	[dreg:$0x3] =	wrdreg s4  }
0xaa: {  	[dreg:$0x4] =	wrdreg $0xC0  }
0xab: {  	_ =	task [dreg:s6], $0x5FFFF  }
0xac: {  	[dreg:$0x1] =	wrdreg $0xFFFFFFFF  }
0xad: {  	[dreg:$0x0] =	wrdreg $0x60  }
0xae: {  	[dreg:$0x2] =	wrdreg s24  }
0xaf: {  	[dreg:$0x3] =	wrdreg $0x9  }
0xb0: {  	_ =	task.clear_ibuf [dreg:s6], $0x4FFFF;
	_ =	strace $0x90000046  }
0xb1: {  	s29 =	simm.s32 $0x9;
	_ =	strace $0x80000048  }
0xb2: {  	_ =	swait.ge [sflag:s29], $0x1  }
0xb3: {  	[sflag:s29] =	ssyncadd.s32 $0xFFFFFFFF  }
0xb4: {  	_ =	strace $0x90000048  }
0xb5: {  	_ =	sfence  }
0xb6: {  	s30 =	sld [smem:$0x0];
	_ =	sdelay $0x2  }
0xb7: {  	s31 =	sshll.u32 s1, $0xD;
	s1 =	sshrl.u32 s1, $0x2  }
0xb8: {  	s3 =	sand.u32 $0x4000, s31;
	s1 =	sadd.s32 s1, s30  }
0xb9: {  	s0 =	sor.u32 s3, s0;
	s1 =	sshll.u32 s1, $0x11  }
0xba: {  	s0 =	sor.u32 s1, s0  }
0xbb: {  	s0 =	sadd.s32 $0x8F2B, s0  }
0xbc: {  	[sflag:s0] =	ssyncadd.remote.s32 $0x1  }
0xbd: {  	_ =	sfence.sel $0xFFFF  }
0xbe: {  	[dreg:$0x0] =	wrdreg $0xFFFFFFFF;
	(pc) =	sbr.abs _section_cstart, $3  }
0xbf: {  	[dreg:$0x1] =	wrdreg $0xFFFFFFFF  }
0xc0: {  	_ =	task.clear_ibuf [dreg:s6], $0x2FFFF;
	_ =	strace $0x9FFFFFFF  }
0xc1: {  	(tm) =	ssettm $0x7FFFFFFF  }
tec
execute0_lowered:
.L_overlay_start_1:
0x0: {  	(tag) =	ssettag $0x1  }
0x1: {  	s1 =	srdreg.scid  }
0x2: {  	s0 =	stileid.u32;
	s5 =	rddreg [dreg:$0x0]  }
0x3: {  	s2 =	simm.s32 $0x0;
	s8 =	simm.s32 $0x80;
	s9 =	simm.s32 $0x400  }
0x4: {  	s10 =	simm.s32 $0x0;
	s3 =	sand.u32 $0x1, s1;
	s29 =	sshll.u32 s0, $0x1  }
0x5: {  	s30 =	sshrl.u32 s0, $0x2;
	s1 =	rddreg [dreg:$0x1];
	s4 =	sor.u32 s3, s29  }
0x6: {  	[smem:$0x7FF] =	sst s2;
	s6 =	smul.u32 $0x14000, s30;
	s7 =	sshll.u32 s4, $0x7  }
0x7: {  	s3 =	ssub.s32 $0x2, s3;
	s4 =	smul.u32 $0x280, s4;
	s7 =	sand.u32 $0x380, s7  }
0x8: {  	_ =	strace $0x80000047;
	s31 =	sshrl.u32 s3, $0x1;
	s6 =	sor.u32 s6, s7  }
0x9: {  	s4 =	sadd.s32 s4, s5;
	s7 =	simm.s32 $0x1400;
	s6 =	sshrl.u32 s6, $0x3  }
0xa: {  	s5 =	sadd.s32 s6, s5;
	s6 =	ssub.s32 s3, s31;
	s3 =	sadd.s32 $0x4400, s4  }
0xb: {  	v0 =	vimm.f32 $0.0e+00;
	v1 =	vimm.f32 $1.000000000e+00;
	s4 =	sadd.s32 $0x9400, s5;
	s5 =	smax.u32 s6, $0x1;
	s6 =	simm.s32 $0x1  }
.LBB2_1:
0xc: {  	[tilespmem:s2], [sflag:$0x1] =	stream.linear.gather [hbm4b:s3+s2], $0x1400, $0x38;
	[tilespmem:$0x3C00] =	vst v63  }
0xd: {  	_ =	swait.ge [sflag:s6], $0x1400  }
0xe: {  	[sflag:s6] =	ssyncset.done $0x0  }
0xf: {  	s11 =	simm.s32 $0x0;
	[sflag:s6] =	ssyncadd.s32 $0xFFFFEC00  }
.LBB2_2:
0x10: {  	p0 =	sne.s32 s11, $0x9FC0  }
.Ltmp0:
0x11: {  	_ = 	snop;
	(pc) =	sbr.rel @p0 .LBB2_2-.Ltmp0, $3  }
0x12: {  	_ =	sdelay $0x1  }
0x13: {  	s12 =	sshra.s32 s11, $0x2  }
0x14: {  	s11 =	sadd.s32 $0x40, s11;
	[tilespmem:s12+$0x1400] =	vst v0  }
0x15: {  	s12 =	simm.s32 $0x0;
	s11 =	simm.s32 $0x40  }
.LBB2_4:
0x16: {  	p0 =	sne.s32 s11, $0x4FC0;
	v2 =	vld [tilespmem:s12+$0x0];
	_ =	sdelay $0x3  }
.Ltmp1:
0x17: {  	(pc) =	sbr.rel @p0 .LBB2_4-.Ltmp1, $2  }
0x18: {  	_ =	sdelay $0x2  }
0x19: {  	s12 =	sshra.s32 s11, $0x2;
	s11 =	sadd.s32 $0x40, s11;
	[tilespmem:v2+s7+$0x0] =	vst.idx.add.f32.msk $0xffff, v1  }
0x1a: {  	v2 =	vld [tilespmem:s12+$0x0];
	_ =	sdelay $0x5  }
0x1b: {  	s10 =	sadd.s32 $0x1, s10  }
0x1c: {  	p0 =	sne.s32 s10, s5  }
.Ltmp2:
0x1d: {  	[tilespmem:v2+s7+$0x0] =	vst.idx.add.f32.msk $0xffff, v1;
	(pc) =	sbr.rel @p0 .LBB2_1-.Ltmp2, $4  }
0x1e: {  	[hbm4b:s4+s8] =	stream.strided.scatter [tilespmem:s7], [sflag:$0x1], $0x2800, s9, s8, $0x38;
	[tilespmem:$0x3C00] =	vst v63  }
0x1f: {  	_ =	swait.ge [sflag:s6], $0x2800  }
0x20: {  	[sflag:s6] =	ssyncset.done $0x0  }
0x21: {  	[sflag:s6] =	ssyncadd.s32 $0xFFFFD800  }
0x22: {  	_ =	sfence.sel $0x180000  }
0x23: {  	[bflag:$0x0] =	sbarrier.arrive $0xFFFF  }
0x24: {  	p0 =	sne.s32 s0, $0x0;
	_ =	strace $0x90000047  }
0x25: {  	s0 =	sadd.s32 @!p0 $0x100000, s1;
	[bflag:$0x2] =	sbarrier.arrive $0xFFFF  }
0x26: {  	[sflag:s0] =	ssyncadd.tile.s32 @!p0 $0x1;
	_ =	shalt  }
.Lfunc_end2:
_tile_overlayer_lowered:
.L_overlay_start_2:
0x27: {  	(tag) =	ssettag $0x2  }
0x28: {  	s0 =	rddreg [dreg:$0x0];
	s2 =	stileid.u32  }
0x29: {  	s1 =	rddreg [dreg:$0x1];
	p0 =	sne.s32 s2, $0x0  }
0x2a: {  	s3 =	rddreg [dreg:$0x2];
	[bflag:$0x3] =	sbarrier.arrive $0xFFFF;
	s2 =	simm.s32 @!p0 $0x1C01  }
0x2b: {  	[timem:s3], [sflag:s2] =	dma.local @!p0 [hbm:s0], s1  }
0x2c: {  	s0 =	simm.s32 @!p0 $0x1  }
0x2d: {  	_ =	swait.ge @!p0 [sflag:s0], s1  }
0x2e: {  	s1 =	ssub.s32 @!p0 $0x0, s1;
	[sflag:s0] =	ssyncset.done @!p0 $0x0  }
0x2f: {  	[sflag:s0] =	ssyncadd.s32 @!p0 s1  }
0x30: {  	[bflag:$0x3] =	sbarrier.arrive $0xFFFF  }
0x31: {  	_ =	shalt  }

// kernel: kernel.15.cloned.1.call-start
scs
__scs_entry_jumppad:
0x0: {  	(pc) =	sbr.rel $0x88, $3  }
0x1: {  	(tag) =	ssettag $0x0;
	lr =	simm.s32 $0x1  }
0x2: {  	[smem:$0x3F8E] =	sst lr;
	_ =	strace $0xD0000000  }
0x3: {  	_ = 	snop  }
0x4: {  	_ = 	snop  }
0x5: {  	_ = 	snop  }
0x6: {  	_ = 	snop  }
0x7: {  	_ = 	snop  }
__scs_overlays_trampoline_lowered:
0x8: {  	[smem:$0x3F9D] =	sst s0  }
0x9: {  	[smem:$0x3F9E] =	sst s1  }
0xa: {  	[smem:$0x3F9F] =	sst s2  }
0xb: {  	[smem:$0x3FA0] =	sst s3  }
0xc: {  	[smem:$0x3FA1] =	sst s4  }
0xd: {  	[smem:$0x3FA2] =	sst s5  }
0xe: {  	[smem:$0x3FA3] =	sst s6  }
0xf: {  	[smem:$0x3FA4] =	sst s7  }
0x10: {  	[smem:$0x3FA5] =	sst s8  }
0x11: {  	[smem:$0x3FA6] =	sst s9;
	s0 =	simm.s32 @!p0 $0x0  }
0x12: {  	s1 =	sld [smem:$0x3F8C];
	s0 =	simm.s32 @p0 $0x1  }
0x13: {  	[smem:$0x3FA7] =	sst s0;
	s0 =	simm.s32 @!p1 $0x0  }
0x14: {  	s2 =	sld [smem:$0x3F8B];
	s0 =	simm.s32 @p1 $0x1  }
0x15: {  	[smem:$0x3FA8] =	sst s0;
	s0 =	simm.s32 @!p2 $0x0  }
0x16: {  	s3 =	sld [smem:$0x3FDB];
	s0 =	simm.s32 @p2 $0x1  }
0x17: {  	s4 =	simm.s32 $0x1BF5;
	[smem:$0x3FAA] =	sst s0  }
0x18: {  	s0 =	sld [smem:$0x3F8D];
	_ =	swait.ge [sflag:s4], $0x0  }
0x19: {  	s7 =	sld [smem:$0x3F8E]  }
0x1a: {  	s8 =	sadd.s32 $0xFFFFE003, lr  }
0x1b: {  	s9 =	sadd.s32 $0xFFFFFEF7, lr;
	s5 =	simm.s32 $0xFFFFFFFF;
	p2 =	slt.u32 s8, $0xFFFFF086  }
0x1c: {  	p1 =	slt.u32 s9, $0xF7A;
	s5 =	simm.s32 @!p2 $0x0  }
0x1d: {  	s5 =	simm.s32 @p1 $0x1;
	p0 =	seq.s32 s7, s2  }
0x1e: {  	s7 =	smul.u32 @!p0 $0xF7A, s2;
	p2 =	seq.s32 @!p0 s5, $0x0  }
0x1f: {  	s9 =	smul.u32 $0xF7A, s1;
	s8 =	simm.s32 @!p0 $0x1BF5;
	p2 =	por !p2, p0  }
0x20: {  	[sflag:s8] =	ssyncset.s32 @!p0 $0xFFFFF086;
	s6 =	sadd.s32 @!p0 s3, s7;
	s7 =	simm.s32 @!p0 $0x108  }
0x21: {  	s3 =	sadd.s32 s3, s9;
	s6 =	sadd.s32 @!p0 $0x88, s6;
	s7 =	simm.s32 @p2 $0x1082  }
0x22: {  	[simem:s7], [sflag:s8] =	dma.local @!p0 [hbm:s6], $0xF7A  }
0x23: {  	s9 =	sor.u32 $0xD0000000, s2;
	s6 =	simm.s32 $0x108;
	_ =	swait.ge @!p0 [sflag:s8], $0x0  }
0x24: {  	s3 =	sadd.s32 $0x88, s3;
	s6 =	simm.s32 @!p1 $0x1082;
	[sflag:s4] =	ssyncset.s32 $0xFFFFF086  }
0x25: {  	[simem:s6], [sflag:s4] =	dma.local [hbm:s3], $0xF7A  }
0x26: {  	[smem:$0x3F8E] =	sst s1;
	(tag) =	ssettag s2;
	_ =	strace s9  }
0x27: {  	s1 =	sld [smem:$0x3F9E]  }
0x28: {  	s2 =	sld [smem:$0x3F9F]  }
0x29: {  	s4 =	sld [smem:$0x3FA1]  }
0x2a: {  	p0 =	seq.s32 s5, $0x0;
	s5 =	sld [smem:$0x3FA2]  }
0x2b: {  	s6 =	sld [smem:$0x3FA3]  }
0x2c: {  	s7 =	sld [smem:$0x3FA4]  }
0x2d: {  	s3 =	simm.s32 $0x108;
	s8 =	sld [smem:$0x3FA5]  }
0x2e: {  	s3 =	simm.s32 @!p0 $0x1082;
	s9 =	sld [smem:$0x3FA6]  }
0x2f: {  	lr =	sadd.s32 s0, s3;
	s0 =	sld [smem:$0x3F9D]  }
0x30: {  	s3 =	sld [smem:$0x3FA0]  }
0x31: {  	[smem:$0x3FA9] =	sst s10  }
0x32: {  	s10 =	sld [smem:$0x3FA7];
	_ =	sdelay $0x3  }
0x33: {  	p0 =	seq.s32 s10, $0x1;
	s10 =	sld [smem:$0x3FA9];
	_ =	sdelay $0x3  }
0x34: {  	[smem:$0x3FA9] =	sst s10  }
0x35: {  	s10 =	sld [smem:$0x3FA8];
	_ =	sdelay $0x3  }
0x36: {  	p1 =	seq.s32 s10, $0x1;
	s10 =	sld [smem:$0x3FA9];
	_ =	sdelay $0x3  }
0x37: {  	[smem:$0x3FA9] =	sst s10  }
0x38: {  	s10 =	sld [smem:$0x3FAA]  }
0x39: {  	_ = 	snop;
	(pc) =	sbr.ind lr, $3  }
0x3a: {  	_ = 	snop  }
0x3b: {  	_ = 	snop  }
0x3c: {  	p2 =	seq.s32 s10, $0x1;
	s10 =	sld [smem:$0x3FA9]  }
0x3d: {  	_ =	shalt  }
0x3e: {  	_ =	shalt  }
0x3f: {  	_ =	shalt  }
0x40: {  	_ =	shalt  }
0x41: {  	_ =	shalt  }
0x42: {  	_ =	shalt  }
0x43: {  	_ =	shalt  }
0x44: {  	_ =	shalt  }
0x45: {  	_ =	shalt  }
0x46: {  	_ =	shalt  }
0x47: {  	_ =	shalt  }
0x48: {  	_ =	shalt  }
0x49: {  	_ =	shalt  }
0x4a: {  	_ =	shalt  }
0x4b: {  	_ =	shalt  }
0x4c: {  	_ =	shalt  }
0x4d: {  	_ =	shalt  }
0x4e: {  	_ =	shalt  }
0x4f: {  	_ =	shalt  }
0x50: {  	_ =	shalt  }
0x51: {  	_ =	shalt  }
0x52: {  	_ =	shalt  }
0x53: {  	_ =	shalt  }
0x54: {  	_ =	shalt  }
0x55: {  	_ =	shalt  }
0x56: {  	_ =	shalt  }
0x57: {  	_ =	shalt  }
0x58: {  	_ =	shalt  }
0x59: {  	_ =	shalt  }
0x5a: {  	_ =	shalt  }
0x5b: {  	_ =	shalt  }
0x5c: {  	_ =	shalt  }
0x5d: {  	_ =	shalt  }
0x5e: {  	_ =	shalt  }
0x5f: {  	_ =	shalt  }
0x60: {  	_ =	shalt  }
0x61: {  	_ =	shalt  }
0x62: {  	_ =	shalt  }
0x63: {  	_ =	shalt  }
0x64: {  	_ =	shalt  }
0x65: {  	_ =	shalt  }
0x66: {  	_ =	shalt  }
0x67: {  	_ =	shalt  }
0x68: {  	_ =	shalt  }
0x69: {  	_ =	shalt  }
0x6a: {  	_ =	shalt  }
0x6b: {  	_ =	shalt  }
0x6c: {  	_ =	shalt  }
0x6d: {  	_ =	shalt  }
0x6e: {  	_ =	shalt  }
0x6f: {  	_ =	shalt  }
0x70: {  	_ =	shalt  }
0x71: {  	_ =	shalt  }
0x72: {  	_ =	shalt  }
0x73: {  	_ =	shalt  }
0x74: {  	_ =	shalt  }
0x75: {  	_ =	shalt  }
0x76: {  	_ =	shalt  }
0x77: {  	_ =	shalt  }
0x78: {  	_ =	shalt  }
0x79: {  	_ =	shalt  }
0x7a: {  	_ =	shalt  }
0x7b: {  	_ =	shalt  }
0x7c: {  	_ =	shalt  }
0x7d: {  	_ =	shalt  }
0x7e: {  	_ =	shalt  }
0x7f: {  	_ =	shalt  }
0x80: {  	_ =	shalt  }
0x81: {  	_ =	shalt  }
0x82: {  	_ =	shalt  }
0x83: {  	_ =	shalt  }
0x84: {  	_ =	shalt  }
0x85: {  	_ =	shalt  }
0x86: {  	_ =	shalt  }
0x87: {  	_ =	shalt  }
.Lfunc_end0:
.L_simem_size_0:
called_computation.1_lowered:
.L_overlay_start_0:
0x88: {  	s2 =	sld [smem:$0x3FD9]  }
0x89: {  	s3 =	sld [smem:$0x3FFE];
	_ =	sdelay $0x1  }
0x8a: {  	s1 =	srdreg.scid  }
0x8b: {  	s0 =	sand.u32 $0x1, s1  }
0x8c: {  	s17 =	sshll.u32 s0, $0xA;
	s2 =	sadd.s32 s3, s2  }
0x8d: {  	s2 =	sadd.s32 s2, s17  }
0x8e: {  	[smem:$0x3FB5] =	sst s2  }
0x8f: {  	_ = 	snop  }
0x90: {  	s2 =	sld [smem:$0x3FD0];
	(tm) =	ssettm $0x1  }
0x91: {  	s18 =	sld [smem:$0x3FFB];
	_ =	sdelay $0x3  }
0x92: {  	_ =	strace s18  }
0x93: {  	s3 =	sld [smem:$0x3FFC];
	_ =	sdelay $0x3  }
0x94: {  	_ =	strace s3  }
0x95: {  	s3 =	sld [smem:$0x3FFD];
	_ =	sdelay $0x3  }
0x96: {  	_ =	strace s3  }
0x97: {  	_ =	strace $0x8FFFFFFF  }
0x98: {  	s19 =	sld [smem:$0x3FDB];
	_ =	sdelay $0x1  }
0x99: {  	s4 =	simm.s32 $_scs_section_size  }
0x9a: {  	s5 =	simm.s32 $_size__tile_overlayer_lowered;
	s6 =	simm.s32 $_tile_overlayer_lowered  }
0x9b: {  	s22 =	simm.s32 $0x1BFF;
	s21 =	sshll.u32 s6, $0x1;
	s3 =	sadd.s32 s4, s19  }
0x9c: {  	s7 =	simm.s32 $0x0;
	s20 =	sshll.u32 s5, $0x1;
	s5 =	sadd.s32 s21, s3  }
0x9d: {  	[timem:s7], [sflag:s22] =	dma.local [hbm:s5], s20  }
0x9e: {  	_ =	swait.ge [sflag:s22], s20  }
0x9f: {  	s4 =	ssub.s32 $0x0, s20;
	[sflag:s22] =	ssyncset.done $0x0  }
0xa0: {  	[sflag:s22] =	ssyncadd.s32 s4;
	_ =	sdelay $0x1  }
0xa1: {  	s23 =	simm.s32 $0x1B8B  }
0xa2: {  	_ =	swait.ge [sflag:s23], $0x1  }
0xa3: {  	[sflag:s23] =	ssyncset.done $0x0  }
0xa4: {  	s25 =	simm.s32 $0x1B8E;
	s24 =	sld [smem:$0x3FFE];
	[sflag:s23] =	ssyncadd.s32 $0xFFFFFFFF  }
0xa5: {  	s26 =	simm.s32 $execute0_lowered;
	[smem:$0x3FD2] =	sst s25  }
0xa6: {  	s5 =	sshll.u32 s26, $0x1;
	_ =	strace $0x80000049;
	[dreg:$0x1] =	wrdreg $0xFFFFFFFF  }
0xa7: {  	s28 =	simm.s32 $_size_execute0_lowered;
	s3 =	sadd.s32 s3, s5;
	[dreg:$0x0] =	wrdreg $0x0  }
0xa8: {  	s5 =	sshll.u32 s28, $0x1;
	[dreg:$0x2] =	wrdreg s3  }
0xa9: {  	[dreg:$0x3] =	wrdreg s5  }
0xaa: {  	[dreg:$0x4] =	wrdreg $0xC0  }
0xab: {  	_ =	task [dreg:s7], $0x5FFFF  }
0xac: {  	[dreg:$0x1] =	wrdreg $0xFFFFFFFF  }
0xad: {  	[dreg:$0x0] =	wrdreg $0x60  }
0xae: {  	[dreg:$0x2] =	wrdreg s24  }
0xaf: {  	[dreg:$0x3] =	wrdreg s2  }
0xb0: {  	[dreg:$0x4] =	wrdreg $0x9  }
0xb1: {  	_ =	task.clear_ibuf [dreg:s7], $0x5FFFF;
	_ =	strace $0x90000049  }
0xb2: {  	s29 =	simm.s32 $0x9;
	_ =	strace $0x8000004B  }
0xb3: {  	_ =	swait.ge [sflag:s29], $0x1  }
0xb4: {  	[sflag:s29] =	ssyncadd.s32 $0xFFFFFFFF  }
0xb5: {  	_ =	strace $0x9000004B  }
0xb6: {  	_ =	sfence  }
0xb7: {  	s30 =	sld [smem:$0x0];
	_ =	sdelay $0x2  }
0xb8: {  	s31 =	sshll.u32 s1, $0xD;
	s1 =	sshrl.u32 s1, $0x2  }
0xb9: {  	s3 =	sand.u32 $0x4000, s31;
	s1 =	sadd.s32 s1, s30  }
0xba: {  	s0 =	sor.u32 s3, s0;
	s1 =	sshll.u32 s1, $0x11  }
0xbb: {  	s0 =	sor.u32 s1, s0  }
0xbc: {  	s0 =	sadd.s32 $0x8F2B, s0  }
0xbd: {  	[sflag:s0] =	ssyncadd.remote.s32 $0x1  }
0xbe: {  	_ =	sfence.sel $0xFFFF  }
0xbf: {  	[dreg:$0x0] =	wrdreg $0xFFFFFFFF;
	(pc) =	sbr.abs _section_cstart, $3  }
0xc0: {  	[dreg:$0x1] =	wrdreg $0xFFFFFFFF  }
0xc1: {  	_ =	task.clear_ibuf [dreg:s7], $0x2FFFF;
	_ =	strace $0x9FFFFFFF  }
0xc2: {  	(tm) =	ssettm $0x7FFFFFFF  }
0xc3: {  	_ =	shalt  }
tec
execute0_lowered:
.L_overlay_start_1:
0x0: {  	(tag) =	ssettag $0x1  }
0x1: {  	s1 =	srdreg.scid;
	s5 =	rddreg [dreg:$0x0]  }
0x2: {  	s0 =	stileid.u32;
	s2 =	rddreg [dreg:$0x1]  }
0x3: {  	s3 =	simm.s32 $0x0;
	s9 =	simm.s32 $0x1400;
	s10 =	simm.s32 $0x2800  }
0x4: {  	s11 =	simm.s32 $0x5000;
	s12 =	simm.s32 $0x80;
	s13 =	simm.s32 $0x400  }
0x5: {  	s14 =	simm.s32 $0x0;
	s4 =	sand.u32 $0x1, s1;
	s28 =	sshll.u32 s0, $0x1  }
0x6: {  	s29 =	sshrl.u32 s0, $0x2;
	s1 =	rddreg [dreg:$0x2];
	s6 =	sor.u32 s4, s28  }
0x7: {  	[smem:$0x7FF] =	sst s3;
	s7 =	smul.u32 $0x14000, s29;
	s8 =	sshll.u32 s6, $0x7  }
0x8: {  	s4 =	ssub.s32 $0x2, s4;
	s6 =	smul.u32 $0x280, s6;
	s8 =	sand.u32 $0x380, s8  }
0x9: {  	_ =	strace $0x8000004A;
	s30 =	sshrl.u32 s4, $0x1;
	s7 =	sor.u32 s7, s8  }
0xa: {  	s31 =	ssub.s32 s4, s30;
	s6 =	sadd.s32 s6, s5;
	s7 =	sshrl.u32 s7, $0x3  }
0xb: {  	s8 =	simm.s32 $0x1;
	s4 =	sadd.s32 $0x13400, s6;
	s7 =	sadd.s32 s7, s5  }
0xc: {  	v0 =	vimm.f32 $0.0e+00;
	s5 =	sadd.s32 $0x4400, s6;
	s6 =	sadd.s32 $0x9400, s7;
	s7 =	smax.u32 s31, $0x1  }
.LBB2_1:
0xd: {  	[tilespmem:s3], [sflag:$0x1] =	stream.linear.gather [hbm4b:s4+s3], $0x1400, $0x38;
	[tilespmem:$0x7800] =	vst v63  }
0xe: {  	_ =	swait.ge [sflag:s8], $0x1400  }
0xf: {  	[sflag:s8] =	ssyncset.done $0x0  }
0x10: {  	[sflag:s8] =	ssyncadd.s32 $0xFFFFEC00  }
0x11: {  	[tilespmem:s9], [sflag:$0x1] =	stream.linear.gather [hbm4b:s5+s3], $0x1400, $0x38;
	[tilespmem:$0x7800] =	vst v63  }
0x12: {  	_ =	swait.ge [sflag:s8], $0x1400  }
0x13: {  	[sflag:s8] =	ssyncset.done $0x0  }
0x14: {  	[sflag:s8] =	ssyncadd.s32 $0xFFFFEC00  }
0x15: {  	[tilespmem:s10], [sflag:$0x1] =	stream.linear.gather [hbm4b:s2+s3], $0x2800, $0x38;
	[tilespmem:$0x7800] =	vst v63  }
0x16: {  	_ =	swait.ge [sflag:s8], $0x2800  }
0x17: {  	[sflag:s8] =	ssyncset.done $0x0  }
0x18: {  	s15 =	simm.s32 $0x0;
	[sflag:s8] =	ssyncadd.s32 $0xFFFFD800  }
.LBB2_2:
0x19: {  	p0 =	sne.s32 s15, $0x9FC0  }
.Ltmp0:
0x1a: {  	_ = 	snop;
	(pc) =	sbr.rel @p0 .LBB2_2-.Ltmp0, $3  }
0x1b: {  	_ =	sdelay $0x1  }
0x1c: {  	s16 =	sshra.s32 s15, $0x2  }
0x1d: {  	s15 =	sadd.s32 $0x40, s15;
	[tilespmem:s16+$0x5000] =	vst v0  }
0x1e: {  	s16 =	simm.s32 $0x0;
	s15 =	simm.s32 $0x40  }
.LBB2_4:
0x1f: {  	p0 =	sne.s32 s15, $0x4FC0;
	v1 =	vld [tilespmem:s16+$0x0];
	_ =	sdelay $0x5  }
0x20: {  	v2 =	vld [tilespmem:s16+$0x1400];
	_ =	sdelay $0x1  }
0x21: {  	v1 =	vld.idx.msk [tilespmem:v1+s10+$0x0], $0xffff;
	_ =	sdelay $0x1  }
.Ltmp1:
0x22: {  	(pc) =	sbr.rel @p0 .LBB2_4-.Ltmp1, $2  }
0x23: {  	_ =	sdelay $0x2  }
0x24: {  	s16 =	sshra.s32 s15, $0x2;
	s15 =	sadd.s32 $0x40, s15;
	[tilespmem:v2+s11+$0x0] =	vst.idx.add.f32.msk $0xffff, v1  }
0x25: {  	v1 =	vld [tilespmem:s16+$0x0];
	_ =	sdelay $0x4  }
0x26: {  	v2 =	vld [tilespmem:s16+$0x1400];
	_ =	sdelay $0x2  }
0x27: {  	v1 =	vld.idx.msk [tilespmem:v1+s10+$0x0], $0xffff;
	_ =	sdelay $0x2  }
0x28: {  	s14 =	sadd.s32 $0x1, s14  }
0x29: {  	p0 =	sne.s32 s14, s7  }
.Ltmp2:
0x2a: {  	[tilespmem:v2+s11+$0x0] =	vst.idx.add.f32.msk $0xffff, v1;
	(pc) =	sbr.rel @p0 .LBB2_1-.Ltmp2, $4  }
0x2b: {  	[hbm4b:s6+s12] =	stream.strided.scatter [tilespmem:s11], [sflag:$0x1], $0x2800, s13, s12, $0x38;
	[tilespmem:$0x7800] =	vst v63  }
0x2c: {  	_ =	swait.ge [sflag:s8], $0x2800  }
0x2d: {  	[sflag:s8] =	ssyncset.done $0x0  }
0x2e: {  	[sflag:s8] =	ssyncadd.s32 $0xFFFFD800  }
0x2f: {  	_ =	sfence.sel $0x180000  }
0x30: {  	[bflag:$0x0] =	sbarrier.arrive $0xFFFF  }
0x31: {  	p0 =	sne.s32 s0, $0x0;
	_ =	strace $0x9000004A  }
0x32: {  	s0 =	sadd.s32 @!p0 $0x100000, s1;
	[bflag:$0x2] =	sbarrier.arrive $0xFFFF  }
0x33: {  	[sflag:s0] =	ssyncadd.tile.s32 @!p0 $0x1;
	_ =	shalt  }
.Lfunc_end2:
_tile_overlayer_lowered:
.L_overlay_start_2:
0x34: {  	(tag) =	ssettag $0x2  }
0x35: {  	s0 =	rddreg [dreg:$0x0];
	s2 =	stileid.u32  }
0x36: {  	s1 =	rddreg [dreg:$0x1];
	p0 =	sne.s32 s2, $0x0  }
0x37: {  	s3 =	rddreg [dreg:$0x2];
	[bflag:$0x3] =	sbarrier.arrive $0xFFFF;
	s2 =	simm.s32 @!p0 $0x1C01  }
0x38: {  	[timem:s3], [sflag:s2] =	dma.local @!p0 [hbm:s0], s1  }
0x39: {  	s0 =	simm.s32 @!p0 $0x1  }
0x3a: {  	_ =	swait.ge @!p0 [sflag:s0], s1  }
0x3b: {  	s1 =	ssub.s32 @!p0 $0x0, s1;
	[sflag:s0] =	ssyncset.done @!p0 $0x0  }
0x3c: {  	[sflag:s0] =	ssyncadd.s32 @!p0 s1  }
0x3d: {  	[bflag:$0x3] =	sbarrier.arrive $0xFFFF  }
0x3e: {  	_ =	shalt  }

// kernel: kernel.18.cloned.1.call-start
scs
__scs_entry_jumppad:
0x0: {  	(pc) =	sbr.rel $0x88, $3  }
0x1: {  	(tag) =	ssettag $0x0;
	lr =	simm.s32 $0x1  }
0x2: {  	[smem:$0x3F8E] =	sst lr;
	_ =	strace $0xD0000000  }
0x3: {  	_ = 	snop  }
0x4: {  	_ = 	snop  }
0x5: {  	_ = 	snop  }
0x6: {  	_ = 	snop  }
0x7: {  	_ = 	snop  }
__scs_overlays_trampoline_lowered:
0x8: {  	[smem:$0x3F9D] =	sst s0  }
0x9: {  	[smem:$0x3F9E] =	sst s1  }
0xa: {  	[smem:$0x3F9F] =	sst s2  }
0xb: {  	[smem:$0x3FA0] =	sst s3  }
0xc: {  	[smem:$0x3FA1] =	sst s4  }
0xd: {  	[smem:$0x3FA2] =	sst s5  }
0xe: {  	[smem:$0x3FA3] =	sst s6  }
0xf: {  	[smem:$0x3FA4] =	sst s7  }
0x10: {  	[smem:$0x3FA5] =	sst s8  }
0x11: {  	[smem:$0x3FA6] =	sst s9;
	s0 =	simm.s32 @!p0 $0x0  }
0x12: {  	s1 =	sld [smem:$0x3F8C];
	s0 =	simm.s32 @p0 $0x1  }
0x13: {  	[smem:$0x3FA7] =	sst s0;
	s0 =	simm.s32 @!p1 $0x0  }
0x14: {  	s2 =	sld [smem:$0x3F8B];
	s0 =	simm.s32 @p1 $0x1  }
0x15: {  	[smem:$0x3FA8] =	sst s0;
	s0 =	simm.s32 @!p2 $0x0  }
0x16: {  	s3 =	sld [smem:$0x3FDB];
	s0 =	simm.s32 @p2 $0x1  }
0x17: {  	s4 =	simm.s32 $0x1BF5;
	[smem:$0x3FAA] =	sst s0  }
0x18: {  	s0 =	sld [smem:$0x3F8D];
	_ =	swait.ge [sflag:s4], $0x0  }
0x19: {  	s7 =	sld [smem:$0x3F8E]  }
0x1a: {  	s8 =	sadd.s32 $0xFFFFE003, lr  }
0x1b: {  	s9 =	sadd.s32 $0xFFFFFEF7, lr;
	s5 =	simm.s32 $0xFFFFFFFF;
	p2 =	slt.u32 s8, $0xFFFFF086  }
0x1c: {  	p1 =	slt.u32 s9, $0xF7A;
	s5 =	simm.s32 @!p2 $0x0  }
0x1d: {  	s5 =	simm.s32 @p1 $0x1;
	p0 =	seq.s32 s7, s2  }
0x1e: {  	s7 =	smul.u32 @!p0 $0xF7A, s2;
	p2 =	seq.s32 @!p0 s5, $0x0  }
0x1f: {  	s9 =	smul.u32 $0xF7A, s1;
	s8 =	simm.s32 @!p0 $0x1BF5;
	p2 =	por !p2, p0  }
0x20: {  	[sflag:s8] =	ssyncset.s32 @!p0 $0xFFFFF086;
	s6 =	sadd.s32 @!p0 s3, s7;
	s7 =	simm.s32 @!p0 $0x108  }
0x21: {  	s3 =	sadd.s32 s3, s9;
	s6 =	sadd.s32 @!p0 $0x88, s6;
	s7 =	simm.s32 @p2 $0x1082  }
0x22: {  	[simem:s7], [sflag:s8] =	dma.local @!p0 [hbm:s6], $0xF7A  }
0x23: {  	s9 =	sor.u32 $0xD0000000, s2;
	s6 =	simm.s32 $0x108;
	_ =	swait.ge @!p0 [sflag:s8], $0x0  }
0x24: {  	s3 =	sadd.s32 $0x88, s3;
	s6 =	simm.s32 @!p1 $0x1082;
	[sflag:s4] =	ssyncset.s32 $0xFFFFF086  }
0x25: {  	[simem:s6], [sflag:s4] =	dma.local [hbm:s3], $0xF7A  }
0x26: {  	[smem:$0x3F8E] =	sst s1;
	(tag) =	ssettag s2;
	_ =	strace s9  }
0x27: {  	s1 =	sld [smem:$0x3F9E]  }
0x28: {  	s2 =	sld [smem:$0x3F9F]  }
0x29: {  	s4 =	sld [smem:$0x3FA1]  }
0x2a: {  	p0 =	seq.s32 s5, $0x0;
	s5 =	sld [smem:$0x3FA2]  }
0x2b: {  	s6 =	sld [smem:$0x3FA3]  }
0x2c: {  	s7 =	sld [smem:$0x3FA4]  }
0x2d: {  	s3 =	simm.s32 $0x108;
	s8 =	sld [smem:$0x3FA5]  }
0x2e: {  	s3 =	simm.s32 @!p0 $0x1082;
	s9 =	sld [smem:$0x3FA6]  }
0x2f: {  	lr =	sadd.s32 s0, s3;
	s0 =	sld [smem:$0x3F9D]  }
0x30: {  	s3 =	sld [smem:$0x3FA0]  }
0x31: {  	[smem:$0x3FA9] =	sst s10  }
0x32: {  	s10 =	sld [smem:$0x3FA7];
	_ =	sdelay $0x3  }
0x33: {  	p0 =	seq.s32 s10, $0x1;
	s10 =	sld [smem:$0x3FA9];
	_ =	sdelay $0x3  }
0x34: {  	[smem:$0x3FA9] =	sst s10  }
0x35: {  	s10 =	sld [smem:$0x3FA8];
	_ =	sdelay $0x3  }
0x36: {  	p1 =	seq.s32 s10, $0x1;
	s10 =	sld [smem:$0x3FA9];
	_ =	sdelay $0x3  }
0x37: {  	[smem:$0x3FA9] =	sst s10  }
0x38: {  	s10 =	sld [smem:$0x3FAA]  }
0x39: {  	_ = 	snop;
	(pc) =	sbr.ind lr, $3  }
0x3a: {  	_ = 	snop  }
0x3b: {  	_ = 	snop  }
0x3c: {  	p2 =	seq.s32 s10, $0x1;
	s10 =	sld [smem:$0x3FA9]  }
0x3d: {  	_ =	shalt  }
0x3e: {  	_ =	shalt  }
0x3f: {  	_ =	shalt  }
0x40: {  	_ =	shalt  }
0x41: {  	_ =	shalt  }
0x42: {  	_ =	shalt  }
0x43: {  	_ =	shalt  }
0x44: {  	_ =	shalt  }
0x45: {  	_ =	shalt  }
0x46: {  	_ =	shalt  }
0x47: {  	_ =	shalt  }
0x48: {  	_ =	shalt  }
0x49: {  	_ =	shalt  }
0x4a: {  	_ =	shalt  }
0x4b: {  	_ =	shalt  }
0x4c: {  	_ =	shalt  }
0x4d: {  	_ =	shalt  }
0x4e: {  	_ =	shalt  }
0x4f: {  	_ =	shalt  }
0x50: {  	_ =	shalt  }
0x51: {  	_ =	shalt  }
0x52: {  	_ =	shalt  }
0x53: {  	_ =	shalt  }
0x54: {  	_ =	shalt  }
0x55: {  	_ =	shalt  }
0x56: {  	_ =	shalt  }
0x57: {  	_ =	shalt  }
0x58: {  	_ =	shalt  }
0x59: {  	_ =	shalt  }
0x5a: {  	_ =	shalt  }
0x5b: {  	_ =	shalt  }
0x5c: {  	_ =	shalt  }
0x5d: {  	_ =	shalt  }
0x5e: {  	_ =	shalt  }
0x5f: {  	_ =	shalt  }
0x60: {  	_ =	shalt  }
0x61: {  	_ =	shalt  }
0x62: {  	_ =	shalt  }
0x63: {  	_ =	shalt  }
0x64: {  	_ =	shalt  }
0x65: {  	_ =	shalt  }
0x66: {  	_ =	shalt  }
0x67: {  	_ =	shalt  }
0x68: {  	_ =	shalt  }
0x69: {  	_ =	shalt  }
0x6a: {  	_ =	shalt  }
0x6b: {  	_ =	shalt  }
0x6c: {  	_ =	shalt  }
0x6d: {  	_ =	shalt  }
0x6e: {  	_ =	shalt  }
0x6f: {  	_ =	shalt  }
0x70: {  	_ =	shalt  }
0x71: {  	_ =	shalt  }
0x72: {  	_ =	shalt  }
0x73: {  	_ =	shalt  }
0x74: {  	_ =	shalt  }
0x75: {  	_ =	shalt  }
0x76: {  	_ =	shalt  }
0x77: {  	_ =	shalt  }
0x78: {  	_ =	shalt  }
0x79: {  	_ =	shalt  }
0x7a: {  	_ =	shalt  }
0x7b: {  	_ =	shalt  }
0x7c: {  	_ =	shalt  }
0x7d: {  	_ =	shalt  }
0x7e: {  	_ =	shalt  }
0x7f: {  	_ =	shalt  }
0x80: {  	_ =	shalt  }
0x81: {  	_ =	shalt  }
0x82: {  	_ =	shalt  }
0x83: {  	_ =	shalt  }
0x84: {  	_ =	shalt  }
0x85: {  	_ =	shalt  }
0x86: {  	_ =	shalt  }
0x87: {  	_ =	shalt  }
.Lfunc_end0:
.L_simem_size_0:
called_computation.2_lowered:
.L_overlay_start_0:
0x88: {  	s2 =	sld [smem:$0x3FD9]  }
0x89: {  	s3 =	sld [smem:$0x3FFE];
	_ =	sdelay $0x1  }
0x8a: {  	s1 =	srdreg.scid  }
0x8b: {  	s0 =	sand.u32 $0x1, s1  }
0x8c: {  	s16 =	sshll.u32 s0, $0xA;
	s2 =	sadd.s32 s3, s2  }
0x8d: {  	s2 =	sadd.s32 s2, s16  }
0x8e: {  	[smem:$0x3FB5] =	sst s2  }
0x8f: {  	_ = 	snop  }
0x90: {  	(tm) =	ssettm $0x1  }
0x91: {  	s17 =	sld [smem:$0x3FFB];
	_ =	sdelay $0x3  }
0x92: {  	_ =	strace s17  }
0x93: {  	s2 =	sld [smem:$0x3FFC];
	_ =	sdelay $0x3  }
0x94: {  	_ =	strace s2  }
0x95: {  	s2 =	sld [smem:$0x3FFD];
	_ =	sdelay $0x3  }
0x96: {  	_ =	strace s2  }
0x97: {  	_ =	strace $0x8FFFFFFF  }
0x98: {  	s18 =	sld [smem:$0x3FDB];
	_ =	sdelay $0x1  }
0x99: {  	s19 =	simm.s32 $_scs_section_size  }
0x9a: {  	s4 =	simm.s32 $_size__tile_overlayer_lowered;
	s5 =	simm.s32 $_tile_overlayer_lowered  }
0x9b: {  	s22 =	simm.s32 $0x1BFF;
	s21 =	sshll.u32 s5, $0x1;
	s2 =	sadd.s32 s19, s18  }
0x9c: {  	s6 =	simm.s32 $0x0;
	s20 =	sshll.u32 s4, $0x1;
	s4 =	sadd.s32 s21, s2  }
0x9d: {  	[timem:s6], [sflag:s22] =	dma.local [hbm:s4], s20  }
0x9e: {  	_ =	swait.ge [sflag:s22], s20  }
0x9f: {  	s3 =	ssub.s32 $0x0, s20;
	[sflag:s22] =	ssyncset.done $0x0  }
0xa0: {  	[sflag:s22] =	ssyncadd.s32 s3;
	_ =	sdelay $0x1  }
0xa1: {  	s23 =	simm.s32 $0x1B8B  }
0xa2: {  	_ =	swait.ge [sflag:s23], $0x1  }
0xa3: {  	[sflag:s23] =	ssyncset.done $0x0  }
0xa4: {  	s25 =	simm.s32 $0x1B8E;
	s24 =	sld [smem:$0x3FFE];
	[sflag:s23] =	ssyncadd.s32 $0xFFFFFFFF  }
0xa5: {  	s26 =	simm.s32 $execute0_lowered;
	[smem:$0x3FD2] =	sst s25  }
0xa6: {  	s4 =	sshll.u32 s26, $0x1;
	_ =	strace $0x8000004C;
	[dreg:$0x1] =	wrdreg $0xFFFFFFFF  }
0xa7: {  	s28 =	simm.s32 $_size_execute0_lowered;
	s2 =	sadd.s32 s2, s4;
	[dreg:$0x0] =	wrdreg $0x0  }
0xa8: {  	s4 =	sshll.u32 s28, $0x1;
	[dreg:$0x2] =	wrdreg s2  }
0xa9: {  	[dreg:$0x3] =	wrdreg s4  }
0xaa: {  	[dreg:$0x4] =	wrdreg $0xC0  }
0xab: {  	_ =	task [dreg:s6], $0x5FFFF  }
0xac: {  	[dreg:$0x1] =	wrdreg $0xFFFFFFFF  }
0xad: {  	[dreg:$0x0] =	wrdreg $0x60  }
0xae: {  	[dreg:$0x2] =	wrdreg s24  }
0xaf: {  	[dreg:$0x3] =	wrdreg $0x81000  }
0xb0: {  	[dreg:$0x4] =	wrdreg $0x9  }
0xb1: {  	_ =	task.clear_ibuf [dreg:s6], $0x5FFFF;
	_ =	strace $0x9000004C  }
0xb2: {  	s29 =	simm.s32 $0x9;
	_ =	strace $0x8000004E  }
0xb3: {  	_ =	swait.ge [sflag:s29], $0x1  }
0xb4: {  	[sflag:s29] =	ssyncadd.s32 $0xFFFFFFFF  }
0xb5: {  	_ =	strace $0x9000004E  }
0xb6: {  	_ =	sfence  }
0xb7: {  	s30 =	sld [smem:$0x0];
	_ =	sdelay $0x2  }
0xb8: {  	s31 =	sshll.u32 s1, $0xD;
	s1 =	sshrl.u32 s1, $0x2  }
0xb9: {  	s3 =	sand.u32 $0x4000, s31;
	s1 =	sadd.s32 s1, s30  }
0xba: {  	s0 =	sor.u32 s3, s0;
	s1 =	sshll.u32 s1, $0x11  }
0xbb: {  	s0 =	sor.u32 s1, s0  }
0xbc: {  	s0 =	sadd.s32 $0x8F2B, s0  }
0xbd: {  	[sflag:s0] =	ssyncadd.remote.s32 $0x1  }
0xbe: {  	_ =	sfence.sel $0xFFFF  }
0xbf: {  	[dreg:$0x0] =	wrdreg $0xFFFFFFFF;
	(pc) =	sbr.abs _section_cstart, $3  }
0xc0: {  	[dreg:$0x1] =	wrdreg $0xFFFFFFFF  }
0xc1: {  	_ =	task.clear_ibuf [dreg:s6], $0x2FFFF;
	_ =	strace $0x9FFFFFFF  }
0xc2: {  	(tm) =	ssettm $0x7FFFFFFF  }
0xc3: {  	_ =	shalt  }
tec
execute0_lowered:
.L_overlay_start_1:
0x0: {  	(tag) =	ssettag $0x1  }
0x1: {  	s5 =	rddreg [dreg:$0x0]  }
0x2: {  	s0 =	stileid.u32;
	s1 =	srdreg.scid  }
0x3: {  	s2 =	rddreg [dreg:$0x1];
	s3 =	simm.s32 $0x0;
	s14 =	simm.s32 $0x4100  }
0x4: {  	s15 =	simm.s32 $0x2;
	s16 =	simm.s32 $0x80;
	s17 =	simm.s32 $0x100  }
0x5: {  	s18 =	simm.s32 $0x1;
	s21 =	simm.s32 $0x0;
	s4 =	smul.u32 $0x500, s0  }
0x6: {  	s6 =	sand.u32 $0x1, s1;
	s1 =	rddreg [dreg:$0x2];
	s8 =	smul.u32 $0x14000, s0  }
0x7: {  	[smem:$0x7FF] =	sst s3;
	s29 =	smul.u32 $0x50000, s0;
	s19 =	sshll.u32 s0, $0x6  }
0x8: {  	s7 =	smul.u32 $0x140000, s6;
	_ =	strace $0x8000004D;
	s9 =	ssub.s32 $0x2, s6  }
0x9: {  	s13 =	smul.u32 $0x280, s6;
	s19 =	sor.u32 $0x1C02, s19;
	s11 =	sadd.s32 s4, s5  }
0xa: {  	s4 =	sadd.s32 $0x40400, s5;
	s30 =	sshrl.u32 s9, $0x1;
	s31 =	sshrl.u32 s29, $0x2  }
0xb: {  	s7 =	sadd.s32 s8, s7;
	s12 =	ssub.s32 s9, s30;
	s13 =	sadd.s32 s13, s11  }
0xc: {  	s7 =	sshrl.u32 s7, $0x3;
	s11 =	smax.u32 s12, $0x1;
	s12 =	sadd.s32 $0x4400, s13  }
0xd: {  	s13 =	sadd.s32 $0x13400, s13;
	s10 =	sadd.s32 s7, s5;
	s5 =	sadd.s32 s31, s2  }
0xe: {  	s6 =	sadd.s32 $0x4000, s5;
	s7 =	sadd.s32 $0x8000, s5;
	s8 =	sadd.s32 $0xC000, s5  }
0xf: {  	v0 =	vimm.f32 $0.0e+00;
	s9 =	sadd.s32 $0x10000, s5;
	s10 =	sadd.s32 $0x68400, s10;
	s20 =	sshrl.u32 s5, $0x3  }
.LBB2_1:
0x10: {  	s22 =	simm.s32 $0x0;
	s23 =	simm.s32 $0x200  }
.LBB2_2:
0x11: {  	p0 =	sne.s32 s23, $0xFE00;
	[tilespmem:s22+$0x4170] =	vst v0  }
0x12: {  	[tilespmem:s22+$0x4100] =	vst v0  }
0x13: {  	[tilespmem:s22+$0x4110] =	vst v0  }
.Ltmp0:
0x14: {  	[tilespmem:s22+$0x4120] =	vst v0;
	(pc) =	sbr.rel @p0 .LBB2_2-.Ltmp0, $4  }
0x15: {  	[tilespmem:s22+$0x4130] =	vst v0  }
0x16: {  	[tilespmem:s22+$0x4140] =	vst v0  }
0x17: {  	[tilespmem:s22+$0x4150] =	vst v0  }
0x18: {  	[tilespmem:s22+$0x4160] =	vst v0;
	s22 =	sshra.s32 s23, $0x2;
	s23 =	sadd.s32 $0x200, s23  }
0x19: {  	[tilespmem:s22+$0x4170] =	vst v0  }
0x1a: {  	[tilespmem:s22+$0x4100] =	vst v0  }
0x1b: {  	[tilespmem:s22+$0x4110] =	vst v0  }
0x1c: {  	[tilespmem:s22+$0x4120] =	vst v0  }
0x1d: {  	[tilespmem:s22+$0x4130] =	vst v0  }
0x1e: {  	[tilespmem:s22+$0x4140] =	vst v0  }
0x1f: {  	[tilespmem:s22+$0x4150] =	vst v0  }
0x20: {  	[tilespmem:s22+$0x4160] =	vst v0  }
0x21: {  	[spmem:s5] =	stream.linear.scatter [tilespmem:s14], [sflag:$0x2], $0x4000, $0x38;
	[tilespmem:$0x1C100] =	vst v63  }
0x22: {  	_ =	swait.ge [sflag:s15], $0x4000  }
0x23: {  	[sflag:s15] =	ssyncset.done $0x0  }
0x24: {  	[sflag:s15] =	ssyncadd.s32 $0xFFFFC000  }
0x25: {  	[spmem:s6] =	stream.linear.scatter [tilespmem:s14], [sflag:$0x2], $0x4000, $0x38;
	[tilespmem:$0x1C100] =	vst v63  }
0x26: {  	_ =	swait.ge [sflag:s15], $0x4000  }
0x27: {  	[sflag:s15] =	ssyncset.done $0x0  }
0x28: {  	[sflag:s15] =	ssyncadd.s32 $0xFFFFC000  }
0x29: {  	[spmem:s7] =	stream.linear.scatter [tilespmem:s14], [sflag:$0x2], $0x4000, $0x38;
	[tilespmem:$0x1C100] =	vst v63  }
0x2a: {  	_ =	swait.ge [sflag:s15], $0x4000  }
0x2b: {  	[sflag:s15] =	ssyncset.done $0x0  }
0x2c: {  	[sflag:s15] =	ssyncadd.s32 $0xFFFFC000  }
0x2d: {  	[spmem:s8] =	stream.linear.scatter [tilespmem:s14], [sflag:$0x2], $0x4000, $0x38;
	[tilespmem:$0x1C100] =	vst v63  }
0x2e: {  	_ =	swait.ge [sflag:s15], $0x4000  }
0x2f: {  	[sflag:s15] =	ssyncset.done $0x0  }
0x30: {  	[sflag:s15] =	ssyncadd.s32 $0xFFFFC000  }
0x31: {  	[spmem:s9] =	stream.linear.scatter [tilespmem:s14], [sflag:$0x2], $0x4000, $0x38;
	[tilespmem:$0x1C100] =	vst v63  }
0x32: {  	_ =	swait.ge [sflag:s15], $0x4000  }
0x33: {  	[sflag:s15] =	ssyncset.done $0x0  }
0x34: {  	[sflag:s15] =	ssyncadd.s32 $0xFFFFC000  }
0x35: {  	s30 =	sadd.s32 $0x0, s13;
	[bflag:$0x0] =	sbarrier.arrive $0xFFFF  }
0x36: {  	[tilespmem:s3], [sflag:$0x2] =	stream.linear.gather [hbm4b:s30+s3], $0x80, $0x38;
	[tilespmem:$0x1C100] =	vst v63  }
0x37: {  	_ =	swait.ge [sflag:s15], $0x80  }
0x38: {  	[sflag:s15] =	ssyncset.done $0x0  }
0x39: {  	s31 =	sadd.s32 $0x0, s12;
	[sflag:s15] =	ssyncadd.s32 $0xFFFFFF80  }
0x3a: {  	[tilespmem:s16], [sflag:$0x2] =	stream.linear.gather [hbm4b:s31+s3], $0x80, $0x38;
	[tilespmem:$0x1C100] =	vst v63  }
0x3b: {  	_ =	swait.ge [sflag:s15], $0x80  }
0x3c: {  	[sflag:s15] =	ssyncset.done $0x0  }
0x3d: {  	[sflag:s15] =	ssyncadd.s32 $0xFFFFFF80  }
0x3e: {  	[tilespmem:s17], [sflag:$0x1] =	stream.indirect.gather [hbm4b:s4+s16], $0x80, s3, s16, $0xb8;
	[tilespmem:$0x1C100] =	vst v63  }
0x3f: {  	_ =	swait.ge [sflag:s18], $0x4000  }
0x40: {  	[sflag:s18] =	ssyncset.done $0x0  }
0x41: {  	[sflag:s18] =	ssyncadd.s32 $0xFFFFC000  }
0x42: {  	[spmem:s2] =	stream.indirect.scatter.add.f32 [tilespmem:s17], [sflag:$0x2], $0x80, s16, s16, $0xb8;
	[tilespmem:$0x1C100] =	vst v63  }
0x43: {  	_ =	swait.ge [sflag:s15], $0x4000  }
0x44: {  	s22 =	simm.s32 $0x10;
	s23 =	simm.s32 $0x20;
	[sflag:s15] =	ssyncset.done $0x0  }
.LBB2_4:
0x45: {  	s24 =	sadd.s32 s22, s13  }
0x46: {  	[sflag:s15] =	ssyncadd.s32 $0xFFFFC000;
	s25 =	smov.u32 s23;
	s26 =	sadd.s32 $0x10, s23  }
0x47: {  	[tilespmem:s3], [sflag:$0x2] =	stream.linear.gather [hbm4b:s24+s3], $0x80, $0x38;
	[tilespmem:$0x1C100] =	vst v63  }
0x48: {  	p0 =	sne.s32 s23, $0x270;
	_ =	swait.ge [sflag:s15], $0x80  }
0x49: {  	[sflag:s15] =	ssyncset.done $0x0  }
0x4a: {  	s23 =	sadd.s32 s22, s12;
	s22 =	smov.u32 s25;
	[sflag:s15] =	ssyncadd.s32 $0xFFFFFF80  }
0x4b: {  	[tilespmem:s16], [sflag:$0x2] =	stream.linear.gather [hbm4b:s23+s3], $0x80, $0x38;
	[tilespmem:$0x1C100] =	vst v63  }
0x4c: {  	_ =	swait.ge [sflag:s15], $0x80  }
0x4d: {  	[sflag:s15] =	ssyncset.done $0x0  }
0x4e: {  	[sflag:s15] =	ssyncadd.s32 $0xFFFFFF80  }
0x4f: {  	[tilespmem:s17], [sflag:$0x1] =	stream.indirect.gather [hbm4b:s4+s16], $0x80, s3, s16, $0xb8;
	[tilespmem:$0x1C100] =	vst v63  }
0x50: {  	_ =	swait.ge [sflag:s18], $0x4000  }
.Ltmp1:
0x51: {  	[sflag:s18] =	ssyncset.done $0x0;
	(pc) =	sbr.rel @p0 .LBB2_4-.Ltmp1, $4  }
0x52: {  	[sflag:s18] =	ssyncadd.s32 $0xFFFFC000  }
0x53: {  	[spmem:s2] =	stream.indirect.scatter.add.f32 [tilespmem:s17], [sflag:$0x2], $0x80, s16, s16, $0xb8;
	[tilespmem:$0x1C100] =	vst v63  }
0x54: {  	_ =	swait.ge [sflag:s15], $0x4000  }
0x55: {  	s23 =	smov.u32 s26;
	[sflag:s15] =	ssyncset.done $0x0  }
0x56: {  	s23 =	sadd.s32 s22, s13;
	[sflag:s15] =	ssyncadd.s32 $0xFFFFC000  }
0x57: {  	[tilespmem:s3], [sflag:$0x2] =	stream.linear.gather [hbm4b:s23+s3], $0x80, $0x38;
	[tilespmem:$0x1C100] =	vst v63  }
0x58: {  	_ =	swait.ge [sflag:s15], $0x80  }
0x59: {  	[sflag:s15] =	ssyncset.done $0x0  }
0x5a: {  	s31 =	sadd.s32 s22, s12;
	[sflag:s15] =	ssyncadd.s32 $0xFFFFFF80  }
0x5b: {  	[tilespmem:s16], [sflag:$0x2] =	stream.linear.gather [hbm4b:s31+s3], $0x80, $0x38;
	[tilespmem:$0x1C100] =	vst v63  }
0x5c: {  	_ =	swait.ge [sflag:s15], $0x80  }
0x5d: {  	[sflag:s15] =	ssyncset.done $0x0  }
0x5e: {  	[sflag:s15] =	ssyncadd.s32 $0xFFFFFF80  }
0x5f: {  	[tilespmem:s17], [sflag:$0x1] =	stream.indirect.gather [hbm4b:s4+s16], $0x80, s3, s16, $0xb8;
	[tilespmem:$0x1C100] =	vst v63  }
0x60: {  	_ =	swait.ge [sflag:s18], $0x4000  }
0x61: {  	[sflag:s18] =	ssyncset.done $0x0  }
0x62: {  	[sflag:s18] =	ssyncadd.s32 $0xFFFFC000  }
0x63: {  	[spmem:s2] =	stream.indirect.scatter.add.f32 [tilespmem:s17], [sflag:$0x2], $0x80, s16, s16, $0xb8;
	[tilespmem:$0x1C100] =	vst v63  }
0x64: {  	_ =	swait.ge [sflag:s15], $0x4000  }
0x65: {  	s21 =	sadd.s32 $0x1, s21;
	[sflag:s15] =	ssyncset.done $0x0  }
0x66: {  	p0 =	sne.s32 s21, s11;
	[sflag:s15] =	ssyncadd.s32 $0xFFFFC000  }
.Ltmp2:
0x67: {  	[bflag:$0x0] =	sbarrier.arrive $0xFFFF;
	(pc) =	sbr.rel @p0 .LBB2_1-.Ltmp2, $4  }
0x68: {  	[hbm:s10], [sflag:s19] =	dma.local [spmem:s20], $0x2800  }
0x69: {  	_ =	swait.ge [sflag:s15], $0x2800  }
0x6a: {  	[sflag:s15] =	ssyncset.done $0x0  }
0x6b: {  	[sflag:s15] =	ssyncadd.s32 $0xFFFFD800  }
0x6c: {  	_ =	sfence.sel $0x180000  }
0x6d: {  	[bflag:$0x0] =	sbarrier.arrive $0xFFFF  }
0x6e: {  	p0 =	sne.s32 s0, $0x0;
	_ =	strace $0x9000004D  }
0x6f: {  	s0 =	sadd.s32 @!p0 $0x100000, s1;
	[bflag:$0x2] =	sbarrier.arrive $0xFFFF  }
0x70: {  	[sflag:s0] =	ssyncadd.tile.s32 @!p0 $0x1;
	_ =	shalt  }
.Lfunc_end2:
_tile_overlayer_lowered:
.L_overlay_start_2:
0x71: {  	(tag) =	ssettag $0x2  }
0x72: {  	s0 =	rddreg [dreg:$0x0];
	s2 =	stileid.u32  }
0x73: {  	s1 =	rddreg [dreg:$0x1];
	p0 =	sne.s32 s2, $0x0  }
0x74: {  	s3 =	rddreg [dreg:$0x2];
	[bflag:$0x3] =	sbarrier.arrive $0xFFFF;
	s2 =	simm.s32 @!p0 $0x1C02  }
0x75: {  	[timem:s3], [sflag:s2] =	dma.local @!p0 [hbm:s0], s1  }
0x76: {  	s0 =	simm.s32 @!p0 $0x2  }
0x77: {  	_ =	swait.ge @!p0 [sflag:s0], s1  }
0x78: {  	s1 =	ssub.s32 @!p0 $0x0, s1;
	[sflag:s0] =	ssyncset.done @!p0 $0x0  }
0x79: {  	[sflag:s0] =	ssyncadd.s32 @!p0 s1  }
0x7a: {  	[bflag:$0x3] =	sbarrier.arrive $0xFFFF  }
0x7b: {  	_ =	shalt  }

// kernel: kernel.21.cloned.1.call-start
scs
__scs_entry_jumppad:
0x0: {  	(pc) =	sbr.rel $0x88, $3  }
0x1: {  	(tag) =	ssettag $0x0;
	lr =	simm.s32 $0x1  }
0x2: {  	[smem:$0x3F8E] =	sst lr;
	_ =	strace $0xD0000000  }
0x3: {  	_ = 	snop  }
0x4: {  	_ = 	snop  }
0x5: {  	_ = 	snop  }
0x6: {  	_ = 	snop  }
0x7: {  	_ = 	snop  }
__scs_overlays_trampoline_lowered:
0x8: {  	[smem:$0x3F9D] =	sst s0  }
0x9: {  	[smem:$0x3F9E] =	sst s1  }
0xa: {  	[smem:$0x3F9F] =	sst s2  }
0xb: {  	[smem:$0x3FA0] =	sst s3  }
0xc: {  	[smem:$0x3FA1] =	sst s4  }
0xd: {  	[smem:$0x3FA2] =	sst s5  }
0xe: {  	[smem:$0x3FA3] =	sst s6  }
0xf: {  	[smem:$0x3FA4] =	sst s7  }
0x10: {  	[smem:$0x3FA5] =	sst s8  }
0x11: {  	[smem:$0x3FA6] =	sst s9;
	s0 =	simm.s32 @!p0 $0x0  }
0x12: {  	s1 =	sld [smem:$0x3F8C];
	s0 =	simm.s32 @p0 $0x1  }
0x13: {  	[smem:$0x3FA7] =	sst s0;
	s0 =	simm.s32 @!p1 $0x0  }
0x14: {  	s2 =	sld [smem:$0x3F8B];
	s0 =	simm.s32 @p1 $0x1  }
0x15: {  	[smem:$0x3FA8] =	sst s0;
	s0 =	simm.s32 @!p2 $0x0  }
0x16: {  	s3 =	sld [smem:$0x3FDB];
	s0 =	simm.s32 @p2 $0x1  }
0x17: {  	s4 =	simm.s32 $0x1BF5;
	[smem:$0x3FAA] =	sst s0  }
0x18: {  	s0 =	sld [smem:$0x3F8D];
	_ =	swait.ge [sflag:s4], $0x0  }
0x19: {  	s7 =	sld [smem:$0x3F8E]  }
0x1a: {  	s8 =	sadd.s32 $0xFFFFE003, lr  }
0x1b: {  	s9 =	sadd.s32 $0xFFFFFEF7, lr;
	s5 =	simm.s32 $0xFFFFFFFF;
	p2 =	slt.u32 s8, $0xFFFFF086  }
0x1c: {  	p1 =	slt.u32 s9, $0xF7A;
	s5 =	simm.s32 @!p2 $0x0  }
0x1d: {  	s5 =	simm.s32 @p1 $0x1;
	p0 =	seq.s32 s7, s2  }
0x1e: {  	s7 =	smul.u32 @!p0 $0xF7A, s2;
	p2 =	seq.s32 @!p0 s5, $0x0  }
0x1f: {  	s9 =	smul.u32 $0xF7A, s1;
	s8 =	simm.s32 @!p0 $0x1BF5;
	p2 =	por !p2, p0  }
0x20: {  	[sflag:s8] =	ssyncset.s32 @!p0 $0xFFFFF086;
	s6 =	sadd.s32 @!p0 s3, s7;
	s7 =	simm.s32 @!p0 $0x108  }
0x21: {  	s3 =	sadd.s32 s3, s9;
	s6 =	sadd.s32 @!p0 $0x88, s6;
	s7 =	simm.s32 @p2 $0x1082  }
0x22: {  	[simem:s7], [sflag:s8] =	dma.local @!p0 [hbm:s6], $0xF7A  }
0x23: {  	s9 =	sor.u32 $0xD0000000, s2;
	s6 =	simm.s32 $0x108;
	_ =	swait.ge @!p0 [sflag:s8], $0x0  }
0x24: {  	s3 =	sadd.s32 $0x88, s3;
	s6 =	simm.s32 @!p1 $0x1082;
	[sflag:s4] =	ssyncset.s32 $0xFFFFF086  }
0x25: {  	[simem:s6], [sflag:s4] =	dma.local [hbm:s3], $0xF7A  }
0x26: {  	[smem:$0x3F8E] =	sst s1;
	(tag) =	ssettag s2;
	_ =	strace s9  }
0x27: {  	s1 =	sld [smem:$0x3F9E]  }
0x28: {  	s2 =	sld [smem:$0x3F9F]  }
0x29: {  	s4 =	sld [smem:$0x3FA1]  }
0x2a: {  	p0 =	seq.s32 s5, $0x0;
	s5 =	sld [smem:$0x3FA2]  }
0x2b: {  	s6 =	sld [smem:$0x3FA3]  }
0x2c: {  	s7 =	sld [smem:$0x3FA4]  }
0x2d: {  	s3 =	simm.s32 $0x108;
	s8 =	sld [smem:$0x3FA5]  }
0x2e: {  	s3 =	simm.s32 @!p0 $0x1082;
	s9 =	sld [smem:$0x3FA6]  }
0x2f: {  	lr =	sadd.s32 s0, s3;
	s0 =	sld [smem:$0x3F9D]  }
0x30: {  	s3 =	sld [smem:$0x3FA0]  }
0x31: {  	[smem:$0x3FA9] =	sst s10  }
0x32: {  	s10 =	sld [smem:$0x3FA7];
	_ =	sdelay $0x3  }
0x33: {  	p0 =	seq.s32 s10, $0x1;
	s10 =	sld [smem:$0x3FA9];
	_ =	sdelay $0x3  }
0x34: {  	[smem:$0x3FA9] =	sst s10  }
0x35: {  	s10 =	sld [smem:$0x3FA8];
	_ =	sdelay $0x3  }
0x36: {  	p1 =	seq.s32 s10, $0x1;
	s10 =	sld [smem:$0x3FA9];
	_ =	sdelay $0x3  }
0x37: {  	[smem:$0x3FA9] =	sst s10  }
0x38: {  	s10 =	sld [smem:$0x3FAA]  }
0x39: {  	_ = 	snop;
	(pc) =	sbr.ind lr, $3  }
0x3a: {  	_ = 	snop  }
0x3b: {  	_ = 	snop  }
0x3c: {  	p2 =	seq.s32 s10, $0x1;
	s10 =	sld [smem:$0x3FA9]  }
0x3d: {  	_ =	shalt  }
0x3e: {  	_ =	shalt  }
0x3f: {  	_ =	shalt  }
0x40: {  	_ =	shalt  }
0x41: {  	_ =	shalt  }
0x42: {  	_ =	shalt  }
0x43: {  	_ =	shalt  }
0x44: {  	_ =	shalt  }
0x45: {  	_ =	shalt  }
0x46: {  	_ =	shalt  }
0x47: {  	_ =	shalt  }
0x48: {  	_ =	shalt  }
0x49: {  	_ =	shalt  }
0x4a: {  	_ =	shalt  }
0x4b: {  	_ =	shalt  }
0x4c: {  	_ =	shalt  }
0x4d: {  	_ =	shalt  }
0x4e: {  	_ =	shalt  }
0x4f: {  	_ =	shalt  }
0x50: {  	_ =	shalt  }
0x51: {  	_ =	shalt  }
0x52: {  	_ =	shalt  }
0x53: {  	_ =	shalt  }
0x54: {  	_ =	shalt  }
0x55: {  	_ =	shalt  }
0x56: {  	_ =	shalt  }
0x57: {  	_ =	shalt  }
0x58: {  	_ =	shalt  }
0x59: {  	_ =	shalt  }
0x5a: {  	_ =	shalt  }
0x5b: {  	_ =	shalt  }
0x5c: {  	_ =	shalt  }
0x5d: {  	_ =	shalt  }
0x5e: {  	_ =	shalt  }
0x5f: {  	_ =	shalt  }
0x60: {  	_ =	shalt  }
0x61: {  	_ =	shalt  }
0x62: {  	_ =	shalt  }
0x63: {  	_ =	shalt  }
0x64: {  	_ =	shalt  }
0x65: {  	_ =	shalt  }
0x66: {  	_ =	shalt  }
0x67: {  	_ =	shalt  }
0x68: {  	_ =	shalt  }
0x69: {  	_ =	shalt  }
0x6a: {  	_ =	shalt  }
0x6b: {  	_ =	shalt  }
0x6c: {  	_ =	shalt  }
0x6d: {  	_ =	shalt  }
0x6e: {  	_ =	shalt  }
0x6f: {  	_ =	shalt  }
0x70: {  	_ =	shalt  }
0x71: {  	_ =	shalt  }
0x72: {  	_ =	shalt  }
0x73: {  	_ =	shalt  }
0x74: {  	_ =	shalt  }
0x75: {  	_ =	shalt  }
0x76: {  	_ =	shalt  }
0x77: {  	_ =	shalt  }
0x78: {  	_ =	shalt  }
0x79: {  	_ =	shalt  }
0x7a: {  	_ =	shalt  }
0x7b: {  	_ =	shalt  }
0x7c: {  	_ =	shalt  }
0x7d: {  	_ =	shalt  }
0x7e: {  	_ =	shalt  }
0x7f: {  	_ =	shalt  }
0x80: {  	_ =	shalt  }
0x81: {  	_ =	shalt  }
0x82: {  	_ =	shalt  }
0x83: {  	_ =	shalt  }
0x84: {  	_ =	shalt  }
0x85: {  	_ =	shalt  }
0x86: {  	_ =	shalt  }
0x87: {  	_ =	shalt  }
.Lfunc_end0:
.L_simem_size_0:
called_computation.3_lowered:
.L_overlay_start_0:
0x88: {  	s2 =	sld [smem:$0x3FD9]  }
0x89: {  	s3 =	sld [smem:$0x3FFE];
	_ =	sdelay $0x1  }
0x8a: {  	s1 =	srdreg.scid  }
0x8b: {  	s0 =	sand.u32 $0x1, s1  }
0x8c: {  	s16 =	sshll.u32 s0, $0xA;
	s2 =	sadd.s32 s3, s2  }
0x8d: {  	s2 =	sadd.s32 s2, s16  }
0x8e: {  	[smem:$0x3FB5] =	sst s2  }
0x8f: {  	_ = 	snop  }
0x90: {  	(tm) =	ssettm $0x1  }
0x91: {  	s17 =	sld [smem:$0x3FFB];
	_ =	sdelay $0x3  }
0x92: {  	_ =	strace s17  }
0x93: {  	s2 =	sld [smem:$0x3FFC];
	_ =	sdelay $0x3  }
0x94: {  	_ =	strace s2  }
0x95: {  	s2 =	sld [smem:$0x3FFD];
	_ =	sdelay $0x3  }
0x96: {  	_ =	strace s2  }
0x97: {  	_ =	strace $0x8FFFFFFF  }
0x98: {  	s18 =	sld [smem:$0x3FDB];
	_ =	sdelay $0x1  }
0x99: {  	s19 =	simm.s32 $_scs_section_size  }
0x9a: {  	s4 =	simm.s32 $_size__tile_overlayer_lowered;
	s5 =	simm.s32 $_tile_overlayer_lowered  }
0x9b: {  	s22 =	simm.s32 $0x1BFF;
	s21 =	sshll.u32 s5, $0x1;
	s2 =	sadd.s32 s19, s18  }
0x9c: {  	s6 =	simm.s32 $0x0;
	s20 =	sshll.u32 s4, $0x1;
	s4 =	sadd.s32 s21, s2  }
0x9d: {  	[timem:s6], [sflag:s22] =	dma.local [hbm:s4], s20  }
0x9e: {  	_ =	swait.ge [sflag:s22], s20  }
0x9f: {  	s3 =	ssub.s32 $0x0, s20;
	[sflag:s22] =	ssyncset.done $0x0  }
0xa0: {  	[sflag:s22] =	ssyncadd.s32 s3;
	_ =	sdelay $0x1  }
0xa1: {  	s23 =	simm.s32 $0x1B8B  }
0xa2: {  	_ =	swait.ge [sflag:s23], $0x1  }
0xa3: {  	[sflag:s23] =	ssyncset.done $0x0  }
0xa4: {  	s25 =	simm.s32 $0x1B8E;
	s24 =	sld [smem:$0x3FFE];
	[sflag:s23] =	ssyncadd.s32 $0xFFFFFFFF  }
0xa5: {  	s26 =	simm.s32 $execute0_lowered;
	[smem:$0x3FD2] =	sst s25  }
0xa6: {  	s4 =	sshll.u32 s26, $0x1;
	_ =	strace $0x8000004F;
	[dreg:$0x1] =	wrdreg $0xFFFFFFFF  }
0xa7: {  	s28 =	simm.s32 $_size_execute0_lowered;
	s2 =	sadd.s32 s2, s4;
	[dreg:$0x0] =	wrdreg $0x0  }
0xa8: {  	s4 =	sshll.u32 s28, $0x1;
	[dreg:$0x2] =	wrdreg s2  }
0xa9: {  	[dreg:$0x3] =	wrdreg s4  }
0xaa: {  	[dreg:$0x4] =	wrdreg $0xC0  }
0xab: {  	_ =	task [dreg:s6], $0x5FFFF  }
0xac: {  	[dreg:$0x1] =	wrdreg $0xFFFFFFFF  }
0xad: {  	[dreg:$0x0] =	wrdreg $0x60  }
0xae: {  	[dreg:$0x2] =	wrdreg s24  }
0xaf: {  	[dreg:$0x3] =	wrdreg $0x9  }
0xb0: {  	_ =	task.clear_ibuf [dreg:s6], $0x4FFFF;
	_ =	strace $0x9000004F  }
0xb1: {  	s29 =	simm.s32 $0x9;
	_ =	strace $0x80000051  }
0xb2: {  	_ =	swait.ge [sflag:s29], $0x1  }
0xb3: {  	[sflag:s29] =	ssyncadd.s32 $0xFFFFFFFF  }
0xb4: {  	_ =	strace $0x90000051  }
0xb5: {  	_ =	sfence  }
0xb6: {  	s30 =	sld [smem:$0x0];
	_ =	sdelay $0x2  }
0xb7: {  	s31 =	sshll.u32 s1, $0xD;
	s1 =	sshrl.u32 s1, $0x2  }
0xb8: {  	s3 =	sand.u32 $0x4000, s31;
	s1 =	sadd.s32 s1, s30  }
0xb9: {  	s0 =	sor.u32 s3, s0;
	s1 =	sshll.u32 s1, $0x11  }
0xba: {  	s0 =	sor.u32 s1, s0  }
0xbb: {  	s0 =	sadd.s32 $0x8F2B, s0  }
0xbc: {  	[sflag:s0] =	ssyncadd.remote.s32 $0x1  }
0xbd: {  	_ =	sfence.sel $0xFFFF  }
0xbe: {  	[dreg:$0x0] =	wrdreg $0xFFFFFFFF;
	(pc) =	sbr.abs _section_cstart, $3  }
0xbf: {  	[dreg:$0x1] =	wrdreg $0xFFFFFFFF  }
0xc0: {  	_ =	task.clear_ibuf [dreg:s6], $0x2FFFF;
	_ =	strace $0x9FFFFFFF  }
0xc1: {  	(tm) =	ssettm $0x7FFFFFFF  }
tec
execute0_lowered:
.L_overlay_start_1:
0x0: {  	(tag) =	ssettag $0x1  }
0x1: {  	s1 =	srdreg.scid  }
0x2: {  	s0 =	stileid.u32;
	s3 =	rddreg [dreg:$0x0]  }
0x3: {  	s2 =	simm.s32 $0x0;
	s9 =	simm.s32 $0x3;
	s10 =	simm.s32 $0x80  }
0x4: {  	s11 =	simm.s32 $0x100;
	s12 =	simm.s32 $0x4100;
	s13 =	simm.s32 $0x1  }
0x5: {  	s14 =	simm.s32 $0x2;
	s15 =	simm.s32 $0x0;
	s5 =	smul.u32 $0x2800, s0  }
0x6: {  	s4 =	sand.u32 $0x1, s1;
	s1 =	rddreg [dreg:$0x1];
	s28 =	smul.u32 $0x28000, s0  }
0x7: {  	[smem:$0x7FF] =	sst s2;
	s6 =	smul.u32 $0x1400, s4;
	s7 =	ssub.s32 $0x2, s4  }
0x8: {  	_ =	strace $0x80000050;
	s4 =	smul.u32 $0x14000, s4;
	s30 =	sshrl.u32 s7, $0x1  }
0x9: {  	s29 =	sadd.s32 s28, s3;
	s5 =	sadd.s32 s6, s5;
	s6 =	ssub.s32 s7, s30  }
0xa: {  	s31 =	sadd.s32 s4, s29;
	s5 =	sshrl.u32 s5, $0x3;
	s4 =	smax.u32 s6, $0x1  }
0xb: {  	s6 =	sadd.s32 $0x2C0400, s31;
	s8 =	sadd.s32 s5, s3;
	s3 =	sadd.s32 $0x18400, s3  }
0xc: {  	s5 =	sadd.s32 $0x40400, s31;
	s7 =	sadd.s32 $0x4400, s8;
	s8 =	sadd.s32 $0x13400, s8  }
.LBB2_1:
0xd: {  	s16 =	sadd.s32 $0x0, s8  }
0xe: {  	[tilespmem:s2], [sflag:$0x3] =	stream.linear.gather [hbm4b:s16+s2], $0x80, $0x38;
	[tilespmem:$0x8100] =	vst v63  }
0xf: {  	_ =	swait.ge [sflag:s9], $0x80  }
0x10: {  	[sflag:s9] =	ssyncset.done $0x0  }
0x11: {  	s31 =	sadd.s32 $0x0, s7;
	[sflag:s9] =	ssyncadd.s32 $0xFFFFFF80  }
0x12: {  	[tilespmem:s10], [sflag:$0x3] =	stream.linear.gather [hbm4b:s31+s2], $0x80, $0x38;
	[tilespmem:$0x8100] =	vst v63  }
0x13: {  	_ =	swait.ge [sflag:s9], $0x80  }
0x14: {  	[sflag:s9] =	ssyncset.done $0x0  }
0x15: {  	[sflag:s9] =	ssyncadd.s32 $0xFFFFFF80  }
0x16: {  	[tilespmem:s11], [sflag:$0x1] =	stream.indirect.gather [hbm4b:s3+s10], $0x80, s2, s10, $0xb8;
	[tilespmem:$0x8100] =	vst v63  }
0x17: {  	_ = 	snop  }
0x18: {  	[tilespmem:s12], [sflag:$0x2] =	stream.indirect.gather [hbm4b:s3+s10], $0x80, s10, s10, $0xb8;
	[tilespmem:$0x8100] =	vst v63  }
0x19: {  	_ =	swait.ge [sflag:s13], $0x4000  }
0x1a: {  	[sflag:s13] =	ssyncset.done $0x0  }
0x1b: {  	[sflag:s13] =	ssyncadd.s32 $0xFFFFC000  }
0x1c: {  	_ =	swait.ge [sflag:s14], $0x4000  }
0x1d: {  	[sflag:s14] =	ssyncset.done $0x0  }
0x1e: {  	[sflag:s14] =	ssyncadd.s32 $0xFFFFC000  }
0x1f: {  	[hbm4b:s5+s2] =	stream.linear.scatter [tilespmem:s11], [sflag:$0x3], $0x4000, $0x38;
	[tilespmem:$0x8100] =	vst v63  }
0x20: {  	_ =	swait.ge [sflag:s9], $0x4000  }
0x21: {  	[sflag:s9] =	ssyncset.done $0x0  }
0x22: {  	[sflag:s9] =	ssyncadd.s32 $0xFFFFC000  }
0x23: {  	[hbm4b:s6+s2] =	stream.linear.scatter [tilespmem:s12], [sflag:$0x3], $0x4000, $0x38;
	[tilespmem:$0x8100] =	vst v63  }
0x24: {  	s18 =	simm.s32 $0x10;
	s19 =	simm.s32 $0x20;
	_ =	swait.ge [sflag:s9], $0x4000  }
0x25: {  	s17 =	sadd.s32 $0x800, s5;
	s16 =	sadd.s32 $0x800, s6;
	[sflag:s9] =	ssyncset.done $0x0  }
.LBB2_2:
0x26: {  	s20 =	sadd.s32 s18, s8  }
0x27: {  	[sflag:s9] =	ssyncadd.s32 $0xFFFFC000;
	s21 =	smov.u32 s19;
	s22 =	sadd.s32 $0x10, s19  }
0x28: {  	[tilespmem:s2], [sflag:$0x3] =	stream.linear.gather [hbm4b:s20+s2], $0x80, $0x38;
	[tilespmem:$0x8100] =	vst v63  }
0x29: {  	p0 =	sne.s32 s19, $0x270;
	_ =	swait.ge [sflag:s9], $0x80  }
0x2a: {  	[sflag:s9] =	ssyncset.done $0x0  }
0x2b: {  	s19 =	sadd.s32 s18, s7;
	s18 =	smov.u32 s21;
	[sflag:s9] =	ssyncadd.s32 $0xFFFFFF80  }
0x2c: {  	[tilespmem:s10], [sflag:$0x3] =	stream.linear.gather [hbm4b:s19+s2], $0x80, $0x38;
	[tilespmem:$0x8100] =	vst v63  }
0x2d: {  	_ =	swait.ge [sflag:s9], $0x80  }
0x2e: {  	[sflag:s9] =	ssyncset.done $0x0  }
0x2f: {  	[sflag:s9] =	ssyncadd.s32 $0xFFFFFF80  }
0x30: {  	[tilespmem:s11], [sflag:$0x1] =	stream.indirect.gather [hbm4b:s3+s10], $0x80, s2, s10, $0xb8;
	[tilespmem:$0x8100] =	vst v63  }
0x31: {  	_ = 	snop  }
0x32: {  	[tilespmem:s12], [sflag:$0x2] =	stream.indirect.gather [hbm4b:s3+s10], $0x80, s10, s10, $0xb8;
	[tilespmem:$0x8100] =	vst v63  }
0x33: {  	_ =	swait.ge [sflag:s13], $0x4000  }
0x34: {  	[sflag:s13] =	ssyncset.done $0x0  }
0x35: {  	[sflag:s13] =	ssyncadd.s32 $0xFFFFC000  }
0x36: {  	_ =	swait.ge [sflag:s14], $0x4000  }
0x37: {  	[sflag:s14] =	ssyncset.done $0x0  }
0x38: {  	[sflag:s14] =	ssyncadd.s32 $0xFFFFC000  }
0x39: {  	[hbm4b:s17+s2] =	stream.linear.scatter [tilespmem:s11], [sflag:$0x3], $0x4000, $0x38;
	[tilespmem:$0x8100] =	vst v63  }
0x3a: {  	_ =	swait.ge [sflag:s9], $0x4000  }
.Ltmp0:
0x3b: {  	[sflag:s9] =	ssyncset.done $0x0;
	(pc) =	sbr.rel @p0 .LBB2_2-.Ltmp0, $4  }
0x3c: {  	[sflag:s9] =	ssyncadd.s32 $0xFFFFC000  }
0x3d: {  	[hbm4b:s16+s2] =	stream.linear.scatter [tilespmem:s12], [sflag:$0x3], $0x4000, $0x38;
	[tilespmem:$0x8100] =	vst v63  }
0x3e: {  	s19 =	smov.u32 s22;
	_ =	swait.ge [sflag:s9], $0x4000  }
0x3f: {  	s17 =	sadd.s32 $0x800, s17;
	s16 =	sadd.s32 $0x800, s16;
	[sflag:s9] =	ssyncset.done $0x0  }
0x40: {  	s19 =	sadd.s32 s18, s8;
	[sflag:s9] =	ssyncadd.s32 $0xFFFFC000  }
0x41: {  	[tilespmem:s2], [sflag:$0x3] =	stream.linear.gather [hbm4b:s19+s2], $0x80, $0x38;
	[tilespmem:$0x8100] =	vst v63  }
0x42: {  	_ =	swait.ge [sflag:s9], $0x80  }
0x43: {  	[sflag:s9] =	ssyncset.done $0x0  }
0x44: {  	s31 =	sadd.s32 s18, s7;
	[sflag:s9] =	ssyncadd.s32 $0xFFFFFF80  }
0x45: {  	[tilespmem:s10], [sflag:$0x3] =	stream.linear.gather [hbm4b:s31+s2], $0x80, $0x38;
	[tilespmem:$0x8100] =	vst v63  }
0x46: {  	_ =	swait.ge [sflag:s9], $0x80  }
0x47: {  	[sflag:s9] =	ssyncset.done $0x0  }
0x48: {  	[sflag:s9] =	ssyncadd.s32 $0xFFFFFF80  }
0x49: {  	[tilespmem:s11], [sflag:$0x1] =	stream.indirect.gather [hbm4b:s3+s10], $0x80, s2, s10, $0xb8;
	[tilespmem:$0x8100] =	vst v63  }
0x4a: {  	_ = 	snop  }
0x4b: {  	[tilespmem:s12], [sflag:$0x2] =	stream.indirect.gather [hbm4b:s3+s10], $0x80, s10, s10, $0xb8;
	[tilespmem:$0x8100] =	vst v63  }
0x4c: {  	_ =	swait.ge [sflag:s13], $0x4000  }
0x4d: {  	[sflag:s13] =	ssyncset.done $0x0  }
0x4e: {  	[sflag:s13] =	ssyncadd.s32 $0xFFFFC000  }
0x4f: {  	_ =	swait.ge [sflag:s14], $0x4000  }
0x50: {  	[sflag:s14] =	ssyncset.done $0x0  }
0x51: {  	[sflag:s14] =	ssyncadd.s32 $0xFFFFC000  }
0x52: {  	[hbm4b:s17+s2] =	stream.linear.scatter [tilespmem:s11], [sflag:$0x3], $0x4000, $0x38;
	[tilespmem:$0x8100] =	vst v63  }
0x53: {  	s15 =	sadd.s32 $0x1, s15;
	_ =	swait.ge [sflag:s9], $0x4000  }
0x54: {  	p0 =	sne.s32 s15, s4;
	[sflag:s9] =	ssyncset.done $0x0  }
.Ltmp1:
0x55: {  	[sflag:s9] =	ssyncadd.s32 $0xFFFFC000;
	(pc) =	sbr.rel @p0 .LBB2_1-.Ltmp1, $4  }
0x56: {  	[hbm4b:s16+s2] =	stream.linear.scatter [tilespmem:s12], [sflag:$0x3], $0x4000, $0x38;
	[tilespmem:$0x8100] =	vst v63  }
0x57: {  	_ =	swait.ge [sflag:s9], $0x4000  }
0x58: {  	[sflag:s9] =	ssyncset.done $0x0  }
0x59: {  	[sflag:s9] =	ssyncadd.s32 $0xFFFFC000  }
0x5a: {  	_ =	sfence.sel $0x180000  }
0x5b: {  	[bflag:$0x0] =	sbarrier.arrive $0xFFFF  }
0x5c: {  	p0 =	sne.s32 s0, $0x0;
	_ =	strace $0x90000050  }
0x5d: {  	s0 =	sadd.s32 @!p0 $0x100000, s1;
	[bflag:$0x2] =	sbarrier.arrive $0xFFFF  }
0x5e: {  	[sflag:s0] =	ssyncadd.tile.s32 @!p0 $0x1;
	_ =	shalt  }
.Lfunc_end2:
_tile_overlayer_lowered:
.L_overlay_start_2:
0x5f: {  	(tag) =	ssettag $0x2  }
0x60: {  	s0 =	rddreg [dreg:$0x0];
	s2 =	stileid.u32  }
0x61: {  	s1 =	rddreg [dreg:$0x1];
	p0 =	sne.s32 s2, $0x0  }
0x62: {  	s3 =	rddreg [dreg:$0x2];
	[bflag:$0x3] =	sbarrier.arrive $0xFFFF;
	s2 =	simm.s32 @!p0 $0x1C03  }
0x63: {  	[timem:s3], [sflag:s2] =	dma.local @!p0 [hbm:s0], s1  }
0x64: {  	s0 =	simm.s32 @!p0 $0x3  }
0x65: {  	_ =	swait.ge @!p0 [sflag:s0], s1  }
0x66: {  	s1 =	ssub.s32 @!p0 $0x0, s1;
	[sflag:s0] =	ssyncset.done @!p0 $0x0  }
0x67: {  	[sflag:s0] =	ssyncadd.s32 @!p0 s1  }
0x68: {  	[bflag:$0x3] =	sbarrier.arrive $0xFFFF  }
0x69: {  	_ =	shalt  }

</sc_bundles>
